<compile_context>
chip_gen: v7x
topology: tpu7x:2x2x1
jax: 0.10.2.dev20260603
libtpu: 0.0.44.dev20260713+nightly
codegen_flags: <defaults>
</compile_context>

<pallas_src>
import functools

import jax
import jax.numpy as jnp
from jax import lax
from jax.experimental import pallas as pl
from jax.experimental.pallas import tpu as pltpu
from jax.experimental.pallas import tpu_sc as plsc

B = 16384
L = 50
D = 32
NW = 32
U = B // NW
UCHUNK = 2
ROWS = UCHUNK * L
NCHUNK = U // UCHUNK
NBUF = 2
SCORES = U * L

_info = plsc.get_sparse_core_info()
_NC = _info.num_cores

_CBLK = 4096
_NBLK = (1000000 + 4 * _CBLK - 1) // (4 * _CBLK)
_TROWS = _NBLK * _CBLK * 4


def _linearize_body(x_ref, o_ref):
    for q in range(4):
        o_ref[:, q * D:(q + 1) * D] = jnp.transpose(
            x_ref[:, q * _CBLK:(q + 1) * _CBLK])


_linearize = pl.pallas_call(
    _linearize_body,
    grid=(_NBLK,),
    in_specs=[pl.BlockSpec((D, 4 * _CBLK), lambda i: (0, i))],
    out_specs=pl.BlockSpec((_CBLK, 128), lambda i: (i, 0)),
    out_shape=jax.ShapeDtypeStruct((_NBLK * _CBLK, 128), jnp.float32),
)


_SH = _CBLK.bit_length() - 1


def _row_map(r):
    return (((r >> (_SH + 2)) << (_SH + 2))
            + ((r & (_CBLK - 1)) << 2) + ((r >> _SH) & 3))


@functools.partial(
    pl.kernel,
    mesh=plsc.VectorSubcoreMesh(core_axis_name="c", subcore_axis_name="s"),
    out_type=jax.ShapeDtypeStruct((NW, SCORES), jnp.float32),
    scratch_types=[
        pltpu.VMEM((NCHUNK, ROWS), jnp.int32),
        pltpu.VMEM((U, D), jnp.float32),
        pltpu.VMEM((NBUF, ROWS, D), jnp.float32),
        pltpu.VMEM((SCORES + 16,), jnp.float32),
        pltpu.SemaphoreType.DMA,
        pltpu.SemaphoreType.DMA,
        pltpu.SemaphoreType.DMA,
    ],
    compiler_params=pltpu.CompilerParams(
        needs_layout_passes=False, use_tc_tiling_on_sc=False),
)
def _sc_scores(uemb_h, items_h, iw_h, out_h,
               iidx_v, urows_v, rows_v, scores_v,
               usem, isem0, isem1):
    w = lax.axis_index("s") * _NC + lax.axis_index("c")
    lane15 = lax.iota(jnp.int32, 16) == 15

    uc = pltpu.async_copy(uemb_h.at[w], urows_v, usem)
    pltpu.sync_copy(items_h.at[w], iidx_v)
    uc.wait()

    isems = (isem0, isem1)

    def issue(c, b):
        pltpu.async_copy(iw_h.at[iidx_v.at[c]], rows_v.at[b], isems[b])

    for b in range(NBUF):
        issue(b, b)

    def group(g, carry):
        for b in range(NBUF):
            c = g * NBUF + b
            pltpu.make_async_copy(
                iw_h.at[iidx_v.at[c]], rows_v.at[b], isems[b]).wait()
            rows = rows_v.at[b]
            for ul in range(UCHUNK):
                uu = c * UCHUNK + ul
                urow = urows_v.at[uu]
                u_lo = urow[pl.ds(0, 16)]
                u_hi = urow[pl.ds(16, 16)]
                sbase = c * ROWS + ul * L

                @plsc.parallel_loop(0, L, unroll=10)
                def _scores(l):
                    r = rows.at[ul * L + l]
                    q = u_lo * r[pl.ds(0, 16)] + u_hi * r[pl.ds(16, 16)]
                    cum = plsc.cumsum(q)
                    plsc.store_compressed(
                        scores_v.at[pl.ds(sbase + l, 16)], cum, mask=lane15)

            nxt = c + NBUF

            @pl.when(nxt < NCHUNK)
            def _():
                issue(nxt, b)
        return carry

    lax.fori_loop(0, NCHUNK // NBUF, group, 0)
    pltpu.sync_copy(scores_v.at[pl.ds(0, SCORES)], out_h.at[w])


def kernel(user, items, embed_user_w, embed_item_w):
    uemb = jnp.take(embed_user_w, user, axis=0, mode="clip")
    uemb3 = uemb.reshape(NW, U, D)
    items3 = _row_map(items.astype(jnp.int32)).reshape(NW, NCHUNK, ROWS)
    itab = _linearize(embed_item_w.T).reshape(_TROWS, D)
    out = _sc_scores(uemb3, items3, itab)
    return out.reshape(B, L)

# --- scband reference (transcript-rebuilt; emitter-appended) ---
"""Pipeline reference for scband-bprmf-4406636445909 (READ-ONLY COPY).

The authoritative reference and input builder live on the scoring server;
editing this copy changes nothing except your own understanding.
"""

import jax, jax.numpy as jnp
import numpy as np

USER_NUM = 1000000
ITEM_NUM = 1000000
FACTOR_NUM = 32
BATCH = 16384
N_ITEMS = 50


def setup_inputs(seed: int = 0) -> dict:
    key = jax.random.key(seed)
    k1, k2, k3, k4 = jax.random.split(key, 4)
    user = jax.random.randint(k1, (BATCH,), 0, USER_NUM, dtype=jnp.int64 if jax.config.jax_enable_x64 else jnp.int32)
    items = jax.random.randint(k2, (BATCH, N_ITEMS), 0, ITEM_NUM, dtype=jnp.int64 if jax.config.jax_enable_x64 else jnp.int32)
    embed_user_w = jax.random.normal(k3, (USER_NUM, FACTOR_NUM), dtype=jnp.float32) * 0.01
    embed_item_w = jax.random.normal(k4, (ITEM_NUM, FACTOR_NUM), dtype=jnp.float32) * 0.01
    return {"user": user, "items": items, "embed_user_w": embed_user_w, "embed_item_w": embed_item_w}


def reference(user, items, embed_user_w, embed_item_w):
    # embedding gathers (SparseCore-friendly)
    user_embed = jnp.take(embed_user_w, user, axis=0)            # [B, d]
    item_embeds = jnp.take(embed_item_w, items, axis=0)          # [B, L, d]
    # scores = bmm(user_embed.unsqueeze(1), item_embeds.transpose(1,2)).squeeze(1)
    scores = jnp.einsum('bd,bld->bl', user_embed, item_embeds)   # [B, L]
    return scores

if __name__ == "__main__":
    import jax
    _d = setup_inputs()
    print(jax.jit(kernel)(*tuple(_d.values())))

</pallas_src>

<mosaic_0001>
#map = affine_map<(d0, d1) -> (0, 0, 0)>
#map1 = affine_map<(d0, d1) -> (0, 0)>
module attributes {stable_mosaic.version = 14 : i64} {
  func.func @_sc_scores(%arg0: i32, %arg1: i32, %arg2: memref<32x512x32xf32, #tpu.memory_space<hbm>>, %arg3: memref<32x256x100xi32, #tpu.memory_space<hbm>>, %arg4: memref<1015808x32xf32, #tpu.memory_space<hbm>>, %arg5: memref<32x25600xf32, #tpu.memory_space<hbm>>, %arg6: memref<256x100xi32, #tpu.memory_space<vmem>>, %arg7: memref<512x32xf32, #tpu.memory_space<vmem>>, %arg8: memref<2x100x32xf32, #tpu.memory_space<vmem>>, %arg9: memref<25616xf32, #tpu.memory_space<vmem>>, %arg10: memref<!tpu.dma_semaphore, #tpu.memory_space<semaphore_mem>>, %arg11: memref<!tpu.dma_semaphore, #tpu.memory_space<semaphore_mem>>, %arg12: memref<!tpu.dma_semaphore, #tpu.memory_space<semaphore_mem>>) attributes {dimension_semantics = [#tpu.dimension_semantics<core_parallel>, #tpu.dimension_semantics<subcore_parallel>], iteration_bounds = array<i64: 2, 16>, scalar_prefetch = 0 : i64, scratch_operands = 7 : i64, tpu.core_type = #tpu.core_type<sc_vector_subcore>, window_params = [{transform_indices = #map}, {transform_indices = #map}, {transform_indices = #map1}, {transform_indices = #map1}]} {
    %mul3A = arith.constant 2 : i32
    %mul3A_0 = arith.muli %arg1, %mul3A : i32
    %add3A = arith.addi %mul3A_0, %arg0 : i32
    %iota3A = tpu.iota {dimensions = array<i32: 0>} : vector<16xi32>
    %eq3A = arith.constant 15 : i32
    %eq3A_1 = vector.broadcast %eq3A : i32 to vector<16xi32>
    %eq3A_2 = arith.cmpi eq, %iota3A, %eq3A_1 : vector<16xi32>
    %dma_start3A = arith.constant 0 : i32
    %dma_start3A_3 = arith.constant 0 : i32
    %dma_start3A_4 = tpu.memref_slice %arg2[%add3A, %dma_start3A, %dma_start3A_3] : memref<32x512x32xf32, #tpu.memory_space<hbm>> -> memref<1x512x32xf32, #tpu.memory_space<hbm>>
    %dma_start3A_5 = tpu.memref_squeeze %dma_start3A_4 : memref<1x512x32xf32, #tpu.memory_space<hbm>> -> memref<512x32xf32, #tpu.memory_space<hbm>>
    %dma_start3A_6 = arith.constant 0 : i32
    %dma_start3A_7 = arith.constant 0 : i32
    %dma_start3A_8 = tpu.memref_slice %arg2[%add3A, %dma_start3A_6, %dma_start3A_7] : memref<32x512x32xf32, #tpu.memory_space<hbm>> -> memref<1x512x32xf32, #tpu.memory_space<hbm>>
    %dma_start3A_9 = tpu.memref_squeeze %dma_start3A_8 : memref<1x512x32xf32, #tpu.memory_space<hbm>> -> memref<512x32xf32, #tpu.memory_space<hbm>>
    tpu.enqueue_dma source(%dma_start3A_9 : memref<512x32xf32, #tpu.memory_space<hbm>>) target(%arg7 : memref<512x32xf32, #tpu.memory_space<vmem>>) target_semaphore(%arg10 : memref<!tpu.dma_semaphore, #tpu.memory_space<semaphore_mem>>)
    "tpu.region"() ({
      %run_scoped3A = tpu.sem_alloc : memref<!tpu.dma_semaphore, #tpu.memory_space<semaphore_mem>>
      %dma_start3A_46 = arith.constant 0 : i32
      %dma_start3A_47 = arith.constant 0 : i32
      %dma_start3A_48 = tpu.memref_slice %arg3[%add3A, %dma_start3A_46, %dma_start3A_47] : memref<32x256x100xi32, #tpu.memory_space<hbm>> -> memref<1x256x100xi32, #tpu.memory_space<hbm>>
      %dma_start3A_49 = tpu.memref_squeeze %dma_start3A_48 : memref<1x256x100xi32, #tpu.memory_space<hbm>> -> memref<256x100xi32, #tpu.memory_space<hbm>>
      %dma_start3A_50 = arith.constant 0 : i32
      %dma_start3A_51 = arith.constant 0 : i32
      %dma_start3A_52 = tpu.memref_slice %arg3[%add3A, %dma_start3A_50, %dma_start3A_51] : memref<32x256x100xi32, #tpu.memory_space<hbm>> -> memref<1x256x100xi32, #tpu.memory_space<hbm>>
      %dma_start3A_53 = tpu.memref_squeeze %dma_start3A_52 : memref<1x256x100xi32, #tpu.memory_space<hbm>> -> memref<256x100xi32, #tpu.memory_space<hbm>>
      tpu.enqueue_dma source(%dma_start3A_53 : memref<256x100xi32, #tpu.memory_space<hbm>>) target(%arg6 : memref<256x100xi32, #tpu.memory_space<vmem>>) target_semaphore(%run_scoped3A : memref<!tpu.dma_semaphore, #tpu.memory_space<semaphore_mem>>)
      %dma_wait3A_54 = arith.constant 0 : i32
      %dma_wait3A_55 = arith.constant 0 : i32
      %dma_wait3A_56 = tpu.memref_slice %arg3[%add3A, %dma_wait3A_54, %dma_wait3A_55] : memref<32x256x100xi32, #tpu.memory_space<hbm>> -> memref<1x256x100xi32, #tpu.memory_space<hbm>>
      %dma_wait3A_57 = tpu.memref_squeeze %dma_wait3A_56 : memref<1x256x100xi32, #tpu.memory_space<hbm>> -> memref<256x100xi32, #tpu.memory_space<hbm>>
      %dma_wait3A_58 = arith.constant 0 : i32
      %dma_wait3A_59 = arith.constant 0 : i32
      %dma_wait3A_60 = tpu.memref_slice %arg3[%add3A, %dma_wait3A_58, %dma_wait3A_59] : memref<32x256x100xi32, #tpu.memory_space<hbm>> -> memref<1x256x100xi32, #tpu.memory_space<hbm>>
      %dma_wait3A_61 = tpu.memref_squeeze %dma_wait3A_60 : memref<1x256x100xi32, #tpu.memory_space<hbm>> -> memref<256x100xi32, #tpu.memory_space<hbm>>
      tpu.wait_dma2 semaphore(%run_scoped3A : memref<!tpu.dma_semaphore, #tpu.memory_space<semaphore_mem>>) src(%dma_wait3A_61 : memref<256x100xi32, #tpu.memory_space<hbm>>) dst(%arg6 : memref<256x100xi32, #tpu.memory_space<vmem>>)
      tpu.yield
    }) : () -> ()
    %dma_wait3A = arith.constant 0 : i32
    %dma_wait3A_10 = arith.constant 0 : i32
    %dma_wait3A_11 = tpu.memref_slice %arg2[%add3A, %dma_wait3A, %dma_wait3A_10] : memref<32x512x32xf32, #tpu.memory_space<hbm>> -> memref<1x512x32xf32, #tpu.memory_space<hbm>>
    %dma_wait3A_12 = tpu.memref_squeeze %dma_wait3A_11 : memref<1x512x32xf32, #tpu.memory_space<hbm>> -> memref<512x32xf32, #tpu.memory_space<hbm>>
    %dma_wait3A_13 = arith.constant 0 : i32
    %dma_wait3A_14 = arith.constant 0 : i32
    %dma_wait3A_15 = tpu.memref_slice %arg2[%add3A, %dma_wait3A_13, %dma_wait3A_14] : memref<32x512x32xf32, #tpu.memory_space<hbm>> -> memref<1x512x32xf32, #tpu.memory_space<hbm>>
    %dma_wait3A_16 = tpu.memref_squeeze %dma_wait3A_15 : memref<1x512x32xf32, #tpu.memory_space<hbm>> -> memref<512x32xf32, #tpu.memory_space<hbm>>
    tpu.wait_dma2 semaphore(%arg10 : memref<!tpu.dma_semaphore, #tpu.memory_space<semaphore_mem>>) src(%dma_wait3A_16 : memref<512x32xf32, #tpu.memory_space<hbm>>) dst(%arg7 : memref<512x32xf32, #tpu.memory_space<vmem>>)
    %dma_start3A_17 = arith.constant 0 : i32
    %dma_start3A_18 = arith.constant 0 : i32
    %dma_start3A_19 = arith.constant 0 : i32
    %dma_start3A_20 = arith.constant 0 : i32
    %dma_start3A_21 = tpu.memref_slice %arg8[%dma_start3A_18, %dma_start3A_19, %dma_start3A_20] : memref<2x100x32xf32, #tpu.memory_space<vmem>> -> memref<1x100x32xf32, #tpu.memory_space<vmem>>
    %dma_start3A_22 = tpu.memref_squeeze %dma_start3A_21 : memref<1x100x32xf32, #tpu.memory_space<vmem>> -> memref<100x32xf32, #tpu.memory_space<vmem>>
    %dma_start3A_23 = arith.constant 0 : i32
    %dma_start3A_24 = tpu.memref_slice %arg6[%dma_start3A_17, %dma_start3A_23] : memref<256x100xi32, #tpu.memory_space<vmem>> -> memref<1x100xi32, #tpu.memory_space<vmem>>
    %dma_start3A_25 = tpu.memref_squeeze %dma_start3A_24 : memref<1x100xi32, #tpu.memory_space<vmem>> -> memref<100xi32, #tpu.memory_space<vmem>>
    %dma_start3A_26 = arith.constant 0 : i32
    %dma_start3A_27 = arith.constant 0 : i32
    %dma_start3A_28 = tpu.memref_slice %arg4[%dma_start3A_26, %dma_start3A_27] : memref<1015808x32xf32, #tpu.memory_space<hbm>> -> memref<1015808x32xf32, #tpu.memory_space<hbm>>
    tpu.enqueue_indirect_dma source(%dma_start3A_28 : memref<1015808x32xf32, #tpu.memory_space<hbm>>) target(%dma_start3A_22 : memref<100x32xf32, #tpu.memory_space<vmem>>) offsets(%dma_start3A_25 : memref<100xi32, #tpu.memory_space<vmem>>) semaphore(%arg11 : memref<!tpu.dma_semaphore, #tpu.memory_space<semaphore_mem>>)
    %dma_start3A_29 = arith.constant 1 : i32
    %dma_start3A_30 = arith.constant 1 : i32
    %dma_start3A_31 = arith.constant 0 : i32
    %dma_start3A_32 = arith.constant 0 : i32
    %dma_start3A_33 = tpu.memref_slice %arg8[%dma_start3A_30, %dma_start3A_31, %dma_start3A_32] : memref<2x100x32xf32, #tpu.memory_space<vmem>> -> memref<1x100x32xf32, #tpu.memory_space<vmem>>
    %dma_start3A_34 = tpu.memref_squeeze %dma_start3A_33 : memref<1x100x32xf32, #tpu.memory_space<vmem>> -> memref<100x32xf32, #tpu.memory_space<vmem>>
    %dma_start3A_35 = arith.constant 0 : i32
    %dma_start3A_36 = tpu.memref_slice %arg6[%dma_start3A_29, %dma_start3A_35] : memref<256x100xi32, #tpu.memory_space<vmem>> -> memref<1x100xi32, #tpu.memory_space<vmem>>
    %dma_start3A_37 = tpu.memref_squeeze %dma_start3A_36 : memref<1x100xi32, #tpu.memory_space<vmem>> -> memref<100xi32, #tpu.memory_space<vmem>>
    %dma_start3A_38 = arith.constant 0 : i32
    %dma_start3A_39 = arith.constant 0 : i32
    %dma_start3A_40 = tpu.memref_slice %arg4[%dma_start3A_38, %dma_start3A_39] : memref<1015808x32xf32, #tpu.memory_space<hbm>> -> memref<1015808x32xf32, #tpu.memory_space<hbm>>
    tpu.enqueue_indirect_dma source(%dma_start3A_40 : memref<1015808x32xf32, #tpu.memory_space<hbm>>) target(%dma_start3A_34 : memref<100x32xf32, #tpu.memory_space<vmem>>) offsets(%dma_start3A_37 : memref<100xi32, #tpu.memory_space<vmem>>) semaphore(%arg12 : memref<!tpu.dma_semaphore, #tpu.memory_space<semaphore_mem>>)
    %scan3A = arith.constant 0 : i32
    %scan3A_41 = arith.constant 0 : i32
    %scan3A_42 = arith.constant 128 : i32
    %scan3A_43 = arith.addi %scan3A_41, %scan3A_42 : i32
    %scan3A_44 = arith.constant 1 : i32
    scf.for %scan3A_46 = %scan3A_41 to %scan3A_43 step %scan3A_44  : i32 {
      %mul3A_47 = arith.constant 2 : i32
      %mul3A_48 = arith.muli %scan3A_46, %mul3A_47 : i32
      %add3A_49 = arith.constant 0 : i32
      %add3A_50 = arith.addi %mul3A_48, %add3A_49 : i32
      %dma_wait3A_51 = arith.constant 0 : i32
      %dma_wait3A_52 = arith.constant 0 : i32
      %dma_wait3A_53 = arith.constant 0 : i32
      %dma_wait3A_54 = tpu.memref_slice %arg8[%dma_wait3A_51, %dma_wait3A_52, %dma_wait3A_53] : memref<2x100x32xf32, #tpu.memory_space<vmem>> -> memref<1x100x32xf32, #tpu.memory_space<vmem>>
      %dma_wait3A_55 = tpu.memref_squeeze %dma_wait3A_54 : memref<1x100x32xf32, #tpu.memory_space<vmem>> -> memref<100x32xf32, #tpu.memory_space<vmem>>
      %dma_wait3A_56 = arith.constant 0 : i32
      %dma_wait3A_57 = tpu.memref_slice %arg6[%add3A_50, %dma_wait3A_56] : memref<256x100xi32, #tpu.memory_space<vmem>> -> memref<1x100xi32, #tpu.memory_space<vmem>>
      %dma_wait3A_58 = tpu.memref_squeeze %dma_wait3A_57 : memref<1x100xi32, #tpu.memory_space<vmem>> -> memref<100xi32, #tpu.memory_space<vmem>>
      %dma_wait3A_59 = arith.constant 0 : i32
      %dma_wait3A_60 = arith.constant 0 : i32
      %dma_wait3A_61 = tpu.memref_slice %arg4[%dma_wait3A_59, %dma_wait3A_60] : memref<1015808x32xf32, #tpu.memory_space<hbm>> -> memref<1015808x32xf32, #tpu.memory_space<hbm>>
      tpu.wait_indirect_dma semaphore(%arg11 : memref<!tpu.dma_semaphore, #tpu.memory_space<semaphore_mem>>) src(%dma_wait3A_61 : memref<1015808x32xf32, #tpu.memory_space<hbm>>) dst(%dma_wait3A_55 : memref<100x32xf32, #tpu.memory_space<vmem>>)
      %mul3A_62 = arith.constant 2 : i32
      %mul3A_63 = arith.muli %add3A_50, %mul3A_62 : i32
      %add3A_64 = arith.constant 0 : i32
      %add3A_65 = arith.addi %mul3A_63, %add3A_64 : i32
      %get3A = arith.constant 0 : i32
      %get3A_66 = tpu.memref_slice %arg7[%add3A_65, %get3A] : memref<512x32xf32, #tpu.memory_space<vmem>> -> memref<1x32xf32, #tpu.memory_space<vmem>>
      %get3A_67 = tpu.memref_squeeze %get3A_66 : memref<1x32xf32, #tpu.memory_space<vmem>> -> memref<32xf32, #tpu.memory_space<vmem>>
      %get3A_68 = arith.constant 0 : index
      %get3A_69 = tpu.vector_load %get3A_67[%get3A_68] {strides = array<i32>} : memref<32xf32, #tpu.memory_space<vmem>>, vector<16xf32>,
      %get3A_70 = arith.constant 0 : i32
      %get3A_71 = tpu.memref_slice %arg7[%add3A_65, %get3A_70] : memref<512x32xf32, #tpu.memory_space<vmem>> -> memref<1x32xf32, #tpu.memory_space<vmem>>
      %get3A_72 = tpu.memref_squeeze %get3A_71 : memref<1x32xf32, #tpu.memory_space<vmem>> -> memref<32xf32, #tpu.memory_space<vmem>>
      %get3A_73 = arith.constant 16 : index
      %get3A_74 = tpu.vector_load %get3A_72[%get3A_73] {strides = array<i32>} : memref<32xf32, #tpu.memory_space<vmem>>, vector<16xf32>,
      %mul3A_75 = arith.constant 100 : i32
      %mul3A_76 = arith.muli %add3A_50, %mul3A_75 : i32
      %add3A_77 = arith.constant 0 : i32
      %add3A_78 = arith.addi %mul3A_76, %add3A_77 : i32
      %parallel_loop3A = arith.constant 0 : i32
      %parallel_loop3A_79 = arith.constant 50 : i32
      %parallel_loop3A_80 = arith.constant 1 : i32
      %parallel_loop3A_81 = arith.constant 0 : i32
      scf.for %parallel_loop3A_174 = %parallel_loop3A to %parallel_loop3A_79 step %parallel_loop3A_80  : i32 {
        %parallel_loop3A_175 = arith.constant 0 : i32
        %parallel_loop3A_176 = arith.addi %parallel_loop3A_175, %parallel_loop3A_174 : i32
        %parallel_loop3A_177 = arith.constant 0 : i32
        %parallel_loop3A_178 = arith.constant 0 : i32
        %parallel_loop3A_179 = tpu.memref_slice %arg8[%parallel_loop3A_81, %parallel_loop3A_177, %parallel_loop3A_178] : memref<2x100x32xf32, #tpu.memory_space<vmem>> -> memref<1x100x32xf32, #tpu.memory_space<vmem>>
        %parallel_loop3A_180 = tpu.memref_squeeze %parallel_loop3A_179 : memref<1x100x32xf32, #tpu.memory_space<vmem>> -> memref<100x32xf32, #tpu.memory_space<vmem>>
        %parallel_loop3A_181 = arith.constant 0 : i32
        %parallel_loop3A_182 = tpu.memref_slice %parallel_loop3A_180[%parallel_loop3A_176, %parallel_loop3A_181] : memref<100x32xf32, #tpu.memory_space<vmem>> -> memref<1x32xf32, #tpu.memory_space<vmem>>
        %parallel_loop3A_183 = tpu.memref_squeeze %parallel_loop3A_182 : memref<1x32xf32, #tpu.memory_space<vmem>> -> memref<32xf32, #tpu.memory_space<vmem>>
        %parallel_loop3A_184 = arith.constant 0 : index
        %parallel_loop3A_185 = tpu.vector_load %parallel_loop3A_183[%parallel_loop3A_184] {strides = array<i32>} : memref<32xf32, #tpu.memory_space<vmem>>, vector<16xf32>,
        %parallel_loop3A_186 = arith.mulf %get3A_69, %parallel_loop3A_185 : vector<16xf32>
        %parallel_loop3A_187 = arith.constant 0 : i32
        %parallel_loop3A_188 = arith.constant 0 : i32
        %parallel_loop3A_189 = tpu.memref_slice %arg8[%parallel_loop3A_81, %parallel_loop3A_187, %parallel_loop3A_188] : memref<2x100x32xf32, #tpu.memory_space<vmem>> -> memref<1x100x32xf32, #tpu.memory_space<vmem>>
        %parallel_loop3A_190 = tpu.memref_squeeze %parallel_loop3A_189 : memref<1x100x32xf32, #tpu.memory_space<vmem>> -> memref<100x32xf32, #tpu.memory_space<vmem>>
        %parallel_loop3A_191 = arith.constant 0 : i32
        %parallel_loop3A_192 = tpu.memref_slice %parallel_loop3A_190[%parallel_loop3A_176, %parallel_loop3A_191] : memref<100x32xf32, #tpu.memory_space<vmem>> -> memref<1x32xf32, #tpu.memory_space<vmem>>
        %parallel_loop3A_193 = tpu.memref_squeeze %parallel_loop3A_192 : memref<1x32xf32, #tpu.memory_space<vmem>> -> memref<32xf32, #tpu.memory_space<vmem>>
        %parallel_loop3A_194 = arith.constant 16 : index
        %parallel_loop3A_195 = tpu.vector_load %parallel_loop3A_193[%parallel_loop3A_194] {strides = array<i32>} : memref<32xf32, #tpu.memory_space<vmem>>, vector<16xf32>,
        %parallel_loop3A_196 = arith.mulf %get3A_74, %parallel_loop3A_195 : vector<16xf32>
        %parallel_loop3A_197 = arith.addf %parallel_loop3A_186, %parallel_loop3A_196 : vector<16xf32>
        %parallel_loop3A_198 = arith.constant true
        %parallel_loop3A_199 = vector.broadcast %parallel_loop3A_198 : i1 to vector<16xi1>
        %parallel_loop3A_200 = tpu.scan <sum>, %parallel_loop3A_197 masked %parallel_loop3A_199 : vector<16xf32>, vector<16xi1> -> vector<16xf32>
        %parallel_loop3A_201 = arith.addi %add3A_78, %parallel_loop3A_174 : i32
        %parallel_loop3A_202 = arith.index_cast %parallel_loop3A_201 : i32 to index
        %parallel_loop3A_203 = tpu.vector_load %arg9[%parallel_loop3A_202] masked %eq3A_2 {strides = array<i32>} : memref<25616xf32, #tpu.memory_space<vmem>>, vector<16xf32>, vector<16xi1>
        tpu.vector_store %arg9[%parallel_loop3A_202], %parallel_loop3A_200 masked %eq3A_2 {strides = array<i32>} : memref<25616xf32, #tpu.memory_space<vmem>>, vector<16xf32>, vector<16xi1>
      } {sc.loop_unroll_factor = 10 : i64, sc.parallel_access}
      %mul3A_82 = arith.constant 2 : i32
      %mul3A_83 = arith.muli %add3A_50, %mul3A_82 : i32
      %add3A_84 = arith.constant 1 : i32
      %add3A_85 = arith.addi %mul3A_83, %add3A_84 : i32
      %get3A_86 = arith.constant 0 : i32
      %get3A_87 = tpu.memref_slice %arg7[%add3A_85, %get3A_86] : memref<512x32xf32, #tpu.memory_space<vmem>> -> memref<1x32xf32, #tpu.memory_space<vmem>>
      %get3A_88 = tpu.memref_squeeze %get3A_87 : memref<1x32xf32, #tpu.memory_space<vmem>> -> memref<32xf32, #tpu.memory_space<vmem>>
      %get3A_89 = arith.constant 0 : index
      %get3A_90 = tpu.vector_load %get3A_88[%get3A_89] {strides = array<i32>} : memref<32xf32, #tpu.memory_space<vmem>>, vector<16xf32>,
      %get3A_91 = arith.constant 0 : i32
      %get3A_92 = tpu.memref_slice %arg7[%add3A_85, %get3A_91] : memref<512x32xf32, #tpu.memory_space<vmem>> -> memref<1x32xf32, #tpu.memory_space<vmem>>
      %get3A_93 = tpu.memref_squeeze %get3A_92 : memref<1x32xf32, #tpu.memory_space<vmem>> -> memref<32xf32, #tpu.memory_space<vmem>>
      %get3A_94 = arith.constant 16 : index
      %get3A_95 = tpu.vector_load %get3A_93[%get3A_94] {strides = array<i32>} : memref<32xf32, #tpu.memory_space<vmem>>, vector<16xf32>,
      %mul3A_96 = arith.constant 100 : i32
      %mul3A_97 = arith.muli %add3A_50, %mul3A_96 : i32
      %add3A_98 = arith.constant 50 : i32
      %add3A_99 = arith.addi %mul3A_97, %add3A_98 : i32
      %parallel_loop3A_100 = arith.constant 0 : i32
      %parallel_loop3A_101 = arith.constant 50 : i32
      %parallel_loop3A_102 = arith.constant 1 : i32
      %parallel_loop3A_103 = arith.constant 0 : i32
      scf.for %parallel_loop3A_174 = %parallel_loop3A_100 to %parallel_loop3A_101 step %parallel_loop3A_102  : i32 {
        %parallel_loop3A_175 = arith.constant 50 : i32
        %parallel_loop3A_176 = arith.addi %parallel_loop3A_175, %parallel_loop3A_174 : i32
        %parallel_loop3A_177 = arith.constant 0 : i32
        %parallel_loop3A_178 = arith.constant 0 : i32
        %parallel_loop3A_179 = tpu.memref_slice %arg8[%parallel_loop3A_103, %parallel_loop3A_177, %parallel_loop3A_178] : memref<2x100x32xf32, #tpu.memory_space<vmem>> -> memref<1x100x32xf32, #tpu.memory_space<vmem>>
        %parallel_loop3A_180 = tpu.memref_squeeze %parallel_loop3A_179 : memref<1x100x32xf32, #tpu.memory_space<vmem>> -> memref<100x32xf32, #tpu.memory_space<vmem>>
        %parallel_loop3A_181 = arith.constant 0 : i32
        %parallel_loop3A_182 = tpu.memref_slice %parallel_loop3A_180[%parallel_loop3A_176, %parallel_loop3A_181] : memref<100x32xf32, #tpu.memory_space<vmem>> -> memref<1x32xf32, #tpu.memory_space<vmem>>
        %parallel_loop3A_183 = tpu.memref_squeeze %parallel_loop3A_182 : memref<1x32xf32, #tpu.memory_space<vmem>> -> memref<32xf32, #tpu.memory_space<vmem>>
        %parallel_loop3A_184 = arith.constant 0 : index
        %parallel_loop3A_185 = tpu.vector_load %parallel_loop3A_183[%parallel_loop3A_184] {strides = array<i32>} : memref<32xf32, #tpu.memory_space<vmem>>, vector<16xf32>,
        %parallel_loop3A_186 = arith.mulf %get3A_90, %parallel_loop3A_185 : vector<16xf32>
        %parallel_loop3A_187 = arith.constant 0 : i32
        %parallel_loop3A_188 = arith.constant 0 : i32
        %parallel_loop3A_189 = tpu.memref_slice %arg8[%parallel_loop3A_103, %parallel_loop3A_187, %parallel_loop3A_188] : memref<2x100x32xf32, #tpu.memory_space<vmem>> -> memref<1x100x32xf32, #tpu.memory_space<vmem>>
        %parallel_loop3A_190 = tpu.memref_squeeze %parallel_loop3A_189 : memref<1x100x32xf32, #tpu.memory_space<vmem>> -> memref<100x32xf32, #tpu.memory_space<vmem>>
        %parallel_loop3A_191 = arith.constant 0 : i32
        %parallel_loop3A_192 = tpu.memref_slice %parallel_loop3A_190[%parallel_loop3A_176, %parallel_loop3A_191] : memref<100x32xf32, #tpu.memory_space<vmem>> -> memref<1x32xf32, #tpu.memory_space<vmem>>
        %parallel_loop3A_193 = tpu.memref_squeeze %parallel_loop3A_192 : memref<1x32xf32, #tpu.memory_space<vmem>> -> memref<32xf32, #tpu.memory_space<vmem>>
        %parallel_loop3A_194 = arith.constant 16 : index
        %parallel_loop3A_195 = tpu.vector_load %parallel_loop3A_193[%parallel_loop3A_194] {strides = array<i32>} : memref<32xf32, #tpu.memory_space<vmem>>, vector<16xf32>,
        %parallel_loop3A_196 = arith.mulf %get3A_95, %parallel_loop3A_195 : vector<16xf32>
        %parallel_loop3A_197 = arith.addf %parallel_loop3A_186, %parallel_loop3A_196 : vector<16xf32>
        %parallel_loop3A_198 = arith.constant true
        %parallel_loop3A_199 = vector.broadcast %parallel_loop3A_198 : i1 to vector<16xi1>
        %parallel_loop3A_200 = tpu.scan <sum>, %parallel_loop3A_197 masked %parallel_loop3A_199 : vector<16xf32>, vector<16xi1> -> vector<16xf32>
        %parallel_loop3A_201 = arith.addi %add3A_99, %parallel_loop3A_174 : i32
        %parallel_loop3A_202 = arith.index_cast %parallel_loop3A_201 : i32 to index
        %parallel_loop3A_203 = tpu.vector_load %arg9[%parallel_loop3A_202] masked %eq3A_2 {strides = array<i32>} : memref<25616xf32, #tpu.memory_space<vmem>>, vector<16xf32>, vector<16xi1>
        tpu.vector_store %arg9[%parallel_loop3A_202], %parallel_loop3A_200 masked %eq3A_2 {strides = array<i32>} : memref<25616xf32, #tpu.memory_space<vmem>>, vector<16xf32>, vector<16xi1>
      } {sc.loop_unroll_factor = 10 : i64, sc.parallel_access}
      %add3A_104 = arith.constant 2 : i32
      %add3A_105 = arith.addi %add3A_50, %add3A_104 : i32
      %lt3A = arith.constant 256 : i32
      %lt3A_106 = arith.cmpi slt, %add3A_105, %lt3A : i32
      %convert_element_type3A = arith.extui %lt3A_106 : i1 to i32
      %cond3A = arith.constant 0 : i32
      %cond3A_107 = arith.cmpi ne, %convert_element_type3A, %cond3A : i32
      scf.if %cond3A_107 {
        %dma_start3A_174 = arith.constant 0 : i32
        %dma_start3A_175 = arith.constant 0 : i32
        %dma_start3A_176 = arith.constant 0 : i32
        %dma_start3A_177 = tpu.memref_slice %arg8[%dma_start3A_174, %dma_start3A_175, %dma_start3A_176] : memref<2x100x32xf32, #tpu.memory_space<vmem>> -> memref<1x100x32xf32, #tpu.memory_space<vmem>>
        %dma_start3A_178 = tpu.memref_squeeze %dma_start3A_177 : memref<1x100x32xf32, #tpu.memory_space<vmem>> -> memref<100x32xf32, #tpu.memory_space<vmem>>
        %dma_start3A_179 = arith.constant 0 : i32
        %dma_start3A_180 = tpu.memref_slice %arg6[%add3A_105, %dma_start3A_179] : memref<256x100xi32, #tpu.memory_space<vmem>> -> memref<1x100xi32, #tpu.memory_space<vmem>>
        %dma_start3A_181 = tpu.memref_squeeze %dma_start3A_180 : memref<1x100xi32, #tpu.memory_space<vmem>> -> memref<100xi32, #tpu.memory_space<vmem>>
        %dma_start3A_182 = arith.constant 0 : i32
        %dma_start3A_183 = arith.constant 0 : i32
        %dma_start3A_184 = tpu.memref_slice %arg4[%dma_start3A_182, %dma_start3A_183] : memref<1015808x32xf32, #tpu.memory_space<hbm>> -> memref<1015808x32xf32, #tpu.memory_space<hbm>>
        tpu.enqueue_indirect_dma source(%dma_start3A_184 : memref<1015808x32xf32, #tpu.memory_space<hbm>>) target(%dma_start3A_178 : memref<100x32xf32, #tpu.memory_space<vmem>>) offsets(%dma_start3A_181 : memref<100xi32, #tpu.memory_space<vmem>>) semaphore(%arg11 : memref<!tpu.dma_semaphore, #tpu.memory_space<semaphore_mem>>)
      } else {
      }
      %mul3A_108 = arith.constant 2 : i32
      %mul3A_109 = arith.muli %scan3A_46, %mul3A_108 : i32
      %add3A_110 = arith.constant 1 : i32
      %add3A_111 = arith.addi %mul3A_109, %add3A_110 : i32
      %dma_wait3A_112 = arith.constant 1 : i32
      %dma_wait3A_113 = arith.constant 0 : i32
      %dma_wait3A_114 = arith.constant 0 : i32
      %dma_wait3A_115 = tpu.memref_slice %arg8[%dma_wait3A_112, %dma_wait3A_113, %dma_wait3A_114] : memref<2x100x32xf32, #tpu.memory_space<vmem>> -> memref<1x100x32xf32, #tpu.memory_space<vmem>>
      %dma_wait3A_116 = tpu.memref_squeeze %dma_wait3A_115 : memref<1x100x32xf32, #tpu.memory_space<vmem>> -> memref<100x32xf32, #tpu.memory_space<vmem>>
      %dma_wait3A_117 = arith.constant 0 : i32
      %dma_wait3A_118 = tpu.memref_slice %arg6[%add3A_111, %dma_wait3A_117] : memref<256x100xi32, #tpu.memory_space<vmem>> -> memref<1x100xi32, #tpu.memory_space<vmem>>
      %dma_wait3A_119 = tpu.memref_squeeze %dma_wait3A_118 : memref<1x100xi32, #tpu.memory_space<vmem>> -> memref<100xi32, #tpu.memory_space<vmem>>
      %dma_wait3A_120 = arith.constant 0 : i32
      %dma_wait3A_121 = arith.constant 0 : i32
      %dma_wait3A_122 = tpu.memref_slice %arg4[%dma_wait3A_120, %dma_wait3A_121] : memref<1015808x32xf32, #tpu.memory_space<hbm>> -> memref<1015808x32xf32, #tpu.memory_space<hbm>>
      tpu.wait_indirect_dma semaphore(%arg12 : memref<!tpu.dma_semaphore, #tpu.memory_space<semaphore_mem>>) src(%dma_wait3A_122 : memref<1015808x32xf32, #tpu.memory_space<hbm>>) dst(%dma_wait3A_116 : memref<100x32xf32, #tpu.memory_space<vmem>>)
      %mul3A_123 = arith.constant 2 : i32
      %mul3A_124 = arith.muli %add3A_111, %mul3A_123 : i32
      %add3A_125 = arith.constant 0 : i32
      %add3A_126 = arith.addi %mul3A_124, %add3A_125 : i32
      %get3A_127 = arith.constant 0 : i32
      %get3A_128 = tpu.memref_slice %arg7[%add3A_126, %get3A_127] : memref<512x32xf32, #tpu.memory_space<vmem>> -> memref<1x32xf32, #tpu.memory_space<vmem>>
      %get3A_129 = tpu.memref_squeeze %get3A_128 : memref<1x32xf32, #tpu.memory_space<vmem>> -> memref<32xf32, #tpu.memory_space<vmem>>
      %get3A_130 = arith.constant 0 : index
      %get3A_131 = tpu.vector_load %get3A_129[%get3A_130] {strides = array<i32>} : memref<32xf32, #tpu.memory_space<vmem>>, vector<16xf32>,
      %get3A_132 = arith.constant 0 : i32
      %get3A_133 = tpu.memref_slice %arg7[%add3A_126, %get3A_132] : memref<512x32xf32, #tpu.memory_space<vmem>> -> memref<1x32xf32, #tpu.memory_space<vmem>>
      %get3A_134 = tpu.memref_squeeze %get3A_133 : memref<1x32xf32, #tpu.memory_space<vmem>> -> memref<32xf32, #tpu.memory_space<vmem>>
      %get3A_135 = arith.constant 16 : index
      %get3A_136 = tpu.vector_load %get3A_134[%get3A_135] {strides = array<i32>} : memref<32xf32, #tpu.memory_space<vmem>>, vector<16xf32>,
      %mul3A_137 = arith.constant 100 : i32
      %mul3A_138 = arith.muli %add3A_111, %mul3A_137 : i32
      %add3A_139 = arith.constant 0 : i32
      %add3A_140 = arith.addi %mul3A_138, %add3A_139 : i32
      %parallel_loop3A_141 = arith.constant 0 : i32
      %parallel_loop3A_142 = arith.constant 50 : i32
      %parallel_loop3A_143 = arith.constant 1 : i32
      %parallel_loop3A_144 = arith.constant 1 : i32
      scf.for %parallel_loop3A_174 = %parallel_loop3A_141 to %parallel_loop3A_142 step %parallel_loop3A_143  : i32 {
        %parallel_loop3A_175 = arith.constant 0 : i32
        %parallel_loop3A_176 = arith.addi %parallel_loop3A_175, %parallel_loop3A_174 : i32
        %parallel_loop3A_177 = arith.constant 0 : i32
        %parallel_loop3A_178 = arith.constant 0 : i32
        %parallel_loop3A_179 = tpu.memref_slice %arg8[%parallel_loop3A_144, %parallel_loop3A_177, %parallel_loop3A_178] : memref<2x100x32xf32, #tpu.memory_space<vmem>> -> memref<1x100x32xf32, #tpu.memory_space<vmem>>
        %parallel_loop3A_180 = tpu.memref_squeeze %parallel_loop3A_179 : memref<1x100x32xf32, #tpu.memory_space<vmem>> -> memref<100x32xf32, #tpu.memory_space<vmem>>
        %parallel_loop3A_181 = arith.constant 0 : i32
        %parallel_loop3A_182 = tpu.memref_slice %parallel_loop3A_180[%parallel_loop3A_176, %parallel_loop3A_181] : memref<100x32xf32, #tpu.memory_space<vmem>> -> memref<1x32xf32, #tpu.memory_space<vmem>>
        %parallel_loop3A_183 = tpu.memref_squeeze %parallel_loop3A_182 : memref<1x32xf32, #tpu.memory_space<vmem>> -> memref<32xf32, #tpu.memory_space<vmem>>
        %parallel_loop3A_184 = arith.constant 0 : index
        %parallel_loop3A_185 = tpu.vector_load %parallel_loop3A_183[%parallel_loop3A_184] {strides = array<i32>} : memref<32xf32, #tpu.memory_space<vmem>>, vector<16xf32>,
        %parallel_loop3A_186 = arith.mulf %get3A_131, %parallel_loop3A_185 : vector<16xf32>
        %parallel_loop3A_187 = arith.constant 0 : i32
        %parallel_loop3A_188 = arith.constant 0 : i32
        %parallel_loop3A_189 = tpu.memref_slice %arg8[%parallel_loop3A_144, %parallel_loop3A_187, %parallel_loop3A_188] : memref<2x100x32xf32, #tpu.memory_space<vmem>> -> memref<1x100x32xf32, #tpu.memory_space<vmem>>
        %parallel_loop3A_190 = tpu.memref_squeeze %parallel_loop3A_189 : memref<1x100x32xf32, #tpu.memory_space<vmem>> -> memref<100x32xf32, #tpu.memory_space<vmem>>
        %parallel_loop3A_191 = arith.constant 0 : i32
        %parallel_loop3A_192 = tpu.memref_slice %parallel_loop3A_190[%parallel_loop3A_176, %parallel_loop3A_191] : memref<100x32xf32, #tpu.memory_space<vmem>> -> memref<1x32xf32, #tpu.memory_space<vmem>>
        %parallel_loop3A_193 = tpu.memref_squeeze %parallel_loop3A_192 : memref<1x32xf32, #tpu.memory_space<vmem>> -> memref<32xf32, #tpu.memory_space<vmem>>
        %parallel_loop3A_194 = arith.constant 16 : index
        %parallel_loop3A_195 = tpu.vector_load %parallel_loop3A_193[%parallel_loop3A_194] {strides = array<i32>} : memref<32xf32, #tpu.memory_space<vmem>>, vector<16xf32>,
        %parallel_loop3A_196 = arith.mulf %get3A_136, %parallel_loop3A_195 : vector<16xf32>
        %parallel_loop3A_197 = arith.addf %parallel_loop3A_186, %parallel_loop3A_196 : vector<16xf32>
        %parallel_loop3A_198 = arith.constant true
        %parallel_loop3A_199 = vector.broadcast %parallel_loop3A_198 : i1 to vector<16xi1>
        %parallel_loop3A_200 = tpu.scan <sum>, %parallel_loop3A_197 masked %parallel_loop3A_199 : vector<16xf32>, vector<16xi1> -> vector<16xf32>
        %parallel_loop3A_201 = arith.addi %add3A_140, %parallel_loop3A_174 : i32
        %parallel_loop3A_202 = arith.index_cast %parallel_loop3A_201 : i32 to index
        %parallel_loop3A_203 = tpu.vector_load %arg9[%parallel_loop3A_202] masked %eq3A_2 {strides = array<i32>} : memref<25616xf32, #tpu.memory_space<vmem>>, vector<16xf32>, vector<16xi1>
        tpu.vector_store %arg9[%parallel_loop3A_202], %parallel_loop3A_200 masked %eq3A_2 {strides = array<i32>} : memref<25616xf32, #tpu.memory_space<vmem>>, vector<16xf32>, vector<16xi1>
      } {sc.loop_unroll_factor = 10 : i64, sc.parallel_access}
      %mul3A_145 = arith.constant 2 : i32
      %mul3A_146 = arith.muli %add3A_111, %mul3A_145 : i32
      %add3A_147 = arith.constant 1 : i32
      %add3A_148 = arith.addi %mul3A_146, %add3A_147 : i32
      %get3A_149 = arith.constant 0 : i32
      %get3A_150 = tpu.memref_slice %arg7[%add3A_148, %get3A_149] : memref<512x32xf32, #tpu.memory_space<vmem>> -> memref<1x32xf32, #tpu.memory_space<vmem>>
      %get3A_151 = tpu.memref_squeeze %get3A_150 : memref<1x32xf32, #tpu.memory_space<vmem>> -> memref<32xf32, #tpu.memory_space<vmem>>
      %get3A_152 = arith.constant 0 : index
      %get3A_153 = tpu.vector_load %get3A_151[%get3A_152] {strides = array<i32>} : memref<32xf32, #tpu.memory_space<vmem>>, vector<16xf32>,
      %get3A_154 = arith.constant 0 : i32
      %get3A_155 = tpu.memref_slice %arg7[%add3A_148, %get3A_154] : memref<512x32xf32, #tpu.memory_space<vmem>> -> memref<1x32xf32, #tpu.memory_space<vmem>>
      %get3A_156 = tpu.memref_squeeze %get3A_155 : memref<1x32xf32, #tpu.memory_space<vmem>> -> memref<32xf32, #tpu.memory_space<vmem>>
      %get3A_157 = arith.constant 16 : index
      %get3A_158 = tpu.vector_load %get3A_156[%get3A_157] {strides = array<i32>} : memref<32xf32, #tpu.memory_space<vmem>>, vector<16xf32>,
      %mul3A_159 = arith.constant 100 : i32
      %mul3A_160 = arith.muli %add3A_111, %mul3A_159 : i32
      %add3A_161 = arith.constant 50 : i32
      %add3A_162 = arith.addi %mul3A_160, %add3A_161 : i32
      %parallel_loop3A_163 = arith.constant 0 : i32
      %parallel_loop3A_164 = arith.constant 50 : i32
      %parallel_loop3A_165 = arith.constant 1 : i32
      %parallel_loop3A_166 = arith.constant 1 : i32
      scf.for %parallel_loop3A_174 = %parallel_loop3A_163 to %parallel_loop3A_164 step %parallel_loop3A_165  : i32 {
        %parallel_loop3A_175 = arith.constant 50 : i32
        %parallel_loop3A_176 = arith.addi %parallel_loop3A_175, %parallel_loop3A_174 : i32
        %parallel_loop3A_177 = arith.constant 0 : i32
        %parallel_loop3A_178 = arith.constant 0 : i32
        %parallel_loop3A_179 = tpu.memref_slice %arg8[%parallel_loop3A_166, %parallel_loop3A_177, %parallel_loop3A_178] : memref<2x100x32xf32, #tpu.memory_space<vmem>> -> memref<1x100x32xf32, #tpu.memory_space<vmem>>
        %parallel_loop3A_180 = tpu.memref_squeeze %parallel_loop3A_179 : memref<1x100x32xf32, #tpu.memory_space<vmem>> -> memref<100x32xf32, #tpu.memory_space<vmem>>
        %parallel_loop3A_181 = arith.constant 0 : i32
        %parallel_loop3A_182 = tpu.memref_slice %parallel_loop3A_180[%parallel_loop3A_176, %parallel_loop3A_181] : memref<100x32xf32, #tpu.memory_space<vmem>> -> memref<1x32xf32, #tpu.memory_space<vmem>>
        %parallel_loop3A_183 = tpu.memref_squeeze %parallel_loop3A_182 : memref<1x32xf32, #tpu.memory_space<vmem>> -> memref<32xf32, #tpu.memory_space<vmem>>
        %parallel_loop3A_184 = arith.constant 0 : index
        %parallel_loop3A_185 = tpu.vector_load %parallel_loop3A_183[%parallel_loop3A_184] {strides = array<i32>} : memref<32xf32, #tpu.memory_space<vmem>>, vector<16xf32>,
        %parallel_loop3A_186 = arith.mulf %get3A_153, %parallel_loop3A_185 : vector<16xf32>
        %parallel_loop3A_187 = arith.constant 0 : i32
        %parallel_loop3A_188 = arith.constant 0 : i32
        %parallel_loop3A_189 = tpu.memref_slice %arg8[%parallel_loop3A_166, %parallel_loop3A_187, %parallel_loop3A_188] : memref<2x100x32xf32, #tpu.memory_space<vmem>> -> memref<1x100x32xf32, #tpu.memory_space<vmem>>
        %parallel_loop3A_190 = tpu.memref_squeeze %parallel_loop3A_189 : memref<1x100x32xf32, #tpu.memory_space<vmem>> -> memref<100x32xf32, #tpu.memory_space<vmem>>
        %parallel_loop3A_191 = arith.constant 0 : i32
        %parallel_loop3A_192 = tpu.memref_slice %parallel_loop3A_190[%parallel_loop3A_176, %parallel_loop3A_191] : memref<100x32xf32, #tpu.memory_space<vmem>> -> memref<1x32xf32, #tpu.memory_space<vmem>>
        %parallel_loop3A_193 = tpu.memref_squeeze %parallel_loop3A_192 : memref<1x32xf32, #tpu.memory_space<vmem>> -> memref<32xf32, #tpu.memory_space<vmem>>
        %parallel_loop3A_194 = arith.constant 16 : index
        %parallel_loop3A_195 = tpu.vector_load %parallel_loop3A_193[%parallel_loop3A_194] {strides = array<i32>} : memref<32xf32, #tpu.memory_space<vmem>>, vector<16xf32>,
        %parallel_loop3A_196 = arith.mulf %get3A_158, %parallel_loop3A_195 : vector<16xf32>
        %parallel_loop3A_197 = arith.addf %parallel_loop3A_186, %parallel_loop3A_196 : vector<16xf32>
        %parallel_loop3A_198 = arith.constant true
        %parallel_loop3A_199 = vector.broadcast %parallel_loop3A_198 : i1 to vector<16xi1>
        %parallel_loop3A_200 = tpu.scan <sum>, %parallel_loop3A_197 masked %parallel_loop3A_199 : vector<16xf32>, vector<16xi1> -> vector<16xf32>
        %parallel_loop3A_201 = arith.addi %add3A_162, %parallel_loop3A_174 : i32
        %parallel_loop3A_202 = arith.index_cast %parallel_loop3A_201 : i32 to index
        %parallel_loop3A_203 = tpu.vector_load %arg9[%parallel_loop3A_202] masked %eq3A_2 {strides = array<i32>} : memref<25616xf32, #tpu.memory_space<vmem>>, vector<16xf32>, vector<16xi1>
        tpu.vector_store %arg9[%parallel_loop3A_202], %parallel_loop3A_200 masked %eq3A_2 {strides = array<i32>} : memref<25616xf32, #tpu.memory_space<vmem>>, vector<16xf32>, vector<16xi1>
      } {sc.loop_unroll_factor = 10 : i64, sc.parallel_access}
      %add3A_167 = arith.constant 2 : i32
      %add3A_168 = arith.addi %add3A_111, %add3A_167 : i32
      %lt3A_169 = arith.constant 256 : i32
      %lt3A_170 = arith.cmpi slt, %add3A_168, %lt3A_169 : i32
      %convert_element_type3A_171 = arith.extui %lt3A_170 : i1 to i32
      %cond3A_172 = arith.constant 0 : i32
      %cond3A_173 = arith.cmpi ne, %convert_element_type3A_171, %cond3A_172 : i32
      scf.if %cond3A_173 {
        %dma_start3A_174 = arith.constant 1 : i32
        %dma_start3A_175 = arith.constant 0 : i32
        %dma_start3A_176 = arith.constant 0 : i32
        %dma_start3A_177 = tpu.memref_slice %arg8[%dma_start3A_174, %dma_start3A_175, %dma_start3A_176] : memref<2x100x32xf32, #tpu.memory_space<vmem>> -> memref<1x100x32xf32, #tpu.memory_space<vmem>>
        %dma_start3A_178 = tpu.memref_squeeze %dma_start3A_177 : memref<1x100x32xf32, #tpu.memory_space<vmem>> -> memref<100x32xf32, #tpu.memory_space<vmem>>
        %dma_start3A_179 = arith.constant 0 : i32
        %dma_start3A_180 = tpu.memref_slice %arg6[%add3A_168, %dma_start3A_179] : memref<256x100xi32, #tpu.memory_space<vmem>> -> memref<1x100xi32, #tpu.memory_space<vmem>>
        %dma_start3A_181 = tpu.memref_squeeze %dma_start3A_180 : memref<1x100xi32, #tpu.memory_space<vmem>> -> memref<100xi32, #tpu.memory_space<vmem>>
        %dma_start3A_182 = arith.constant 0 : i32
        %dma_start3A_183 = arith.constant 0 : i32
        %dma_start3A_184 = tpu.memref_slice %arg4[%dma_start3A_182, %dma_start3A_183] : memref<1015808x32xf32, #tpu.memory_space<hbm>> -> memref<1015808x32xf32, #tpu.memory_space<hbm>>
        tpu.enqueue_indirect_dma source(%dma_start3A_184 : memref<1015808x32xf32, #tpu.memory_space<hbm>>) target(%dma_start3A_178 : memref<100x32xf32, #tpu.memory_space<vmem>>) offsets(%dma_start3A_181 : memref<100xi32, #tpu.memory_space<vmem>>) semaphore(%arg12 : memref<!tpu.dma_semaphore, #tpu.memory_space<semaphore_mem>>)
      } else {
      }
    }
    %scan3A_45 = arith.constant 128 : i32
    "tpu.region"() ({
      %run_scoped3A = tpu.sem_alloc : memref<!tpu.dma_semaphore, #tpu.memory_space<semaphore_mem>>
      %dma_start3A_46 = arith.constant 0 : i32
      %dma_start3A_47 = tpu.memref_slice %arg9[%dma_start3A_46] : memref<25616xf32, #tpu.memory_space<vmem>> -> memref<25600xf32, #tpu.memory_space<vmem>>
      %dma_start3A_48 = arith.constant 0 : i32
      %dma_start3A_49 = tpu.memref_slice %arg5[%add3A, %dma_start3A_48] : memref<32x25600xf32, #tpu.memory_space<hbm>> -> memref<1x25600xf32, #tpu.memory_space<hbm>>
      %dma_start3A_50 = tpu.memref_squeeze %dma_start3A_49 : memref<1x25600xf32, #tpu.memory_space<hbm>> -> memref<25600xf32, #tpu.memory_space<hbm>>
      %dma_start3A_51 = arith.constant 0 : i32
      %dma_start3A_52 = tpu.memref_slice %arg5[%add3A, %dma_start3A_51] : memref<32x25600xf32, #tpu.memory_space<hbm>> -> memref<1x25600xf32, #tpu.memory_space<hbm>>
      %dma_start3A_53 = tpu.memref_squeeze %dma_start3A_52 : memref<1x25600xf32, #tpu.memory_space<hbm>> -> memref<25600xf32, #tpu.memory_space<hbm>>
      %dma_start3A_54 = arith.constant 0 : i32
      %dma_start3A_55 = tpu.memref_slice %arg9[%dma_start3A_54] : memref<25616xf32, #tpu.memory_space<vmem>> -> memref<25600xf32, #tpu.memory_space<vmem>>
      tpu.enqueue_dma source(%dma_start3A_55 : memref<25600xf32, #tpu.memory_space<vmem>>) target(%dma_start3A_53 : memref<25600xf32, #tpu.memory_space<hbm>>) target_semaphore(%run_scoped3A : memref<!tpu.dma_semaphore, #tpu.memory_space<semaphore_mem>>)
      %dma_wait3A_56 = arith.constant 0 : i32
      %dma_wait3A_57 = tpu.memref_slice %arg9[%dma_wait3A_56] : memref<25616xf32, #tpu.memory_space<vmem>> -> memref<25600xf32, #tpu.memory_space<vmem>>
      %dma_wait3A_58 = arith.constant 0 : i32
      %dma_wait3A_59 = tpu.memref_slice %arg5[%add3A, %dma_wait3A_58] : memref<32x25600xf32, #tpu.memory_space<hbm>> -> memref<1x25600xf32, #tpu.memory_space<hbm>>
      %dma_wait3A_60 = tpu.memref_squeeze %dma_wait3A_59 : memref<1x25600xf32, #tpu.memory_space<hbm>> -> memref<25600xf32, #tpu.memory_space<hbm>>
      %dma_wait3A_61 = arith.constant 0 : i32
      %dma_wait3A_62 = tpu.memref_slice %arg5[%add3A, %dma_wait3A_61] : memref<32x25600xf32, #tpu.memory_space<hbm>> -> memref<1x25600xf32, #tpu.memory_space<hbm>>
      %dma_wait3A_63 = tpu.memref_squeeze %dma_wait3A_62 : memref<1x25600xf32, #tpu.memory_space<hbm>> -> memref<25600xf32, #tpu.memory_space<hbm>>
      %dma_wait3A_64 = arith.constant 0 : i32
      %dma_wait3A_65 = tpu.memref_slice %arg9[%dma_wait3A_64] : memref<25616xf32, #tpu.memory_space<vmem>> -> memref<25600xf32, #tpu.memory_space<vmem>>
      tpu.wait_dma2 semaphore(%run_scoped3A : memref<!tpu.dma_semaphore, #tpu.memory_space<semaphore_mem>>) src(%dma_wait3A_65 : memref<25600xf32, #tpu.memory_space<vmem>>) dst(%dma_wait3A_63 : memref<25600xf32, #tpu.memory_space<hbm>>)
      tpu.yield
    }) : () -> ()
    return
  }
}

module attributes {stable_mosaic.version = 14 : i64} {
  func.func @_linearize_body(%arg0: i32, %arg1: memref<32x16384xf32, #tpu.memory_space<vmem>>, %arg2: memref<4096x128xf32, #tpu.memory_space<vmem>>) attributes {dimension_semantics = [#tpu.dimension_semantics<arbitrary>], iteration_bounds = array<i64: 62>, scalar_prefetch = 0 : i64, scratch_operands = 0 : i64, tpu.core_type = #tpu.core_type<tc>, window_params = [{transform_indices = @transform_0, window_bounds = array<i64: 32, 16384>}, {transform_indices = @transform_1, window_bounds = array<i64: 4096, 128>}]} {
    %get3A = arith.constant 0 : index
    %get3A_0 = arith.constant 0 : index
    %get3A_1 = vector.load %arg1[%get3A, %get3A_0] : memref<32x16384xf32, #tpu.memory_space<vmem>>, vector<32x4096xf32>
    %transpose3A = tpu.transpose %get3A_1, [1, 0] : vector<32x4096xf32> -> vector<4096x32xf32>
    %swap3A = arith.constant 0 : index
    %swap3A_2 = arith.constant 0 : index
    %swap3A_3 = vector.load %arg2[%swap3A, %swap3A_2] : memref<4096x128xf32, #tpu.memory_space<vmem>>, vector<4096x32xf32>
    tpu.vector_store %arg2[%swap3A, %swap3A_2], %transpose3A {strides = array<i32>} : memref<4096x128xf32, #tpu.memory_space<vmem>>, vector<4096x32xf32>,
    %get3A_4 = arith.constant 0 : index
    %get3A_5 = arith.constant 4096 : index
    %get3A_6 = vector.load %arg1[%get3A_4, %get3A_5] : memref<32x16384xf32, #tpu.memory_space<vmem>>, vector<32x4096xf32>
    %transpose3A_7 = tpu.transpose %get3A_6, [1, 0] : vector<32x4096xf32> -> vector<4096x32xf32>
    %swap3A_8 = arith.constant 0 : index
    %swap3A_9 = arith.constant 32 : index
    %swap3A_10 = vector.load %arg2[%swap3A_8, %swap3A_9] : memref<4096x128xf32, #tpu.memory_space<vmem>>, vector<4096x32xf32>
    tpu.vector_store %arg2[%swap3A_8, %swap3A_9], %transpose3A_7 {strides = array<i32>} : memref<4096x128xf32, #tpu.memory_space<vmem>>, vector<4096x32xf32>,
    %get3A_11 = arith.constant 0 : index
    %get3A_12 = arith.constant 8192 : index
    %get3A_13 = vector.load %arg1[%get3A_11, %get3A_12] : memref<32x16384xf32, #tpu.memory_space<vmem>>, vector<32x4096xf32>
    %transpose3A_14 = tpu.transpose %get3A_13, [1, 0] : vector<32x4096xf32> -> vector<4096x32xf32>
    %swap3A_15 = arith.constant 0 : index
    %swap3A_16 = arith.constant 64 : index
    %swap3A_17 = vector.load %arg2[%swap3A_15, %swap3A_16] : memref<4096x128xf32, #tpu.memory_space<vmem>>, vector<4096x32xf32>
    tpu.vector_store %arg2[%swap3A_15, %swap3A_16], %transpose3A_14 {strides = array<i32>} : memref<4096x128xf32, #tpu.memory_space<vmem>>, vector<4096x32xf32>,
    %get3A_18 = arith.constant 0 : index
    %get3A_19 = arith.constant 12288 : index
    %get3A_20 = vector.load %arg1[%get3A_18, %get3A_19] : memref<32x16384xf32, #tpu.memory_space<vmem>>, vector<32x4096xf32>
    %transpose3A_21 = tpu.transpose %get3A_20, [1, 0] : vector<32x4096xf32> -> vector<4096x32xf32>
    %swap3A_22 = arith.constant 0 : index
    %swap3A_23 = arith.constant 96 : index
    %swap3A_24 = vector.load %arg2[%swap3A_22, %swap3A_23] : memref<4096x128xf32, #tpu.memory_space<vmem>>, vector<4096x32xf32>
    tpu.vector_store %arg2[%swap3A_22, %swap3A_23], %transpose3A_21 {strides = array<i32>} : memref<4096x128xf32, #tpu.memory_space<vmem>>, vector<4096x32xf32>,
    return
  }
  func.func @transform_0(%arg0: i32) -> (i32, i32) {
    %c0_i32 = arith.constant 0 : i32
    %c0_i32_0 = arith.constant 0 : i32
    return %c0_i32, %arg0 : i32, i32
  }
  func.func @transform_1(%arg0: i32) -> (i32, i32) {
    %c0_i32 = arith.constant 0 : i32
    %c0_i32_0 = arith.constant 0 : i32
    return %arg0, %c0_i32 : i32, i32
  }
}

</mosaic_0001>

<sc_bundles>
// kernel: gather_offload_async_start
scs
__scs_entry_jumppad:
0x0: {  	(pc) =	sbr.rel $0x88, $3  }
0x1: {  	(tag) =	ssettag $0x0;
	lr =	simm.s32 $0x1  }
0x2: {  	[smem:$0x3F9D] =	sst lr;
	_ =	strace $0xD0000000  }
0x3: {  	_ = 	snop  }
0x4: {  	_ = 	snop  }
0x5: {  	_ = 	snop  }
0x6: {  	_ = 	snop  }
0x7: {  	_ = 	snop  }
__scs_overlays_trampoline_lowered:
0x8: {  	[smem:$0x3FAC] =	sst s0  }
0x9: {  	[smem:$0x3FAD] =	sst s1  }
0xa: {  	[smem:$0x3FAE] =	sst s2  }
0xb: {  	[smem:$0x3FAF] =	sst s3  }
0xc: {  	[smem:$0x3FB0] =	sst s4  }
0xd: {  	[smem:$0x3FB1] =	sst s5  }
0xe: {  	[smem:$0x3FB2] =	sst s6  }
0xf: {  	[smem:$0x3FB3] =	sst s7  }
0x10: {  	[smem:$0x3FB4] =	sst s8  }
0x11: {  	[smem:$0x3FB5] =	sst s9;
	s0 =	simm.s32 @!p0 $0x0  }
0x12: {  	s1 =	sld [smem:$0x3F9B];
	s0 =	simm.s32 @p0 $0x1  }
0x13: {  	[smem:$0x3FB6] =	sst s0;
	s0 =	simm.s32 @!p1 $0x0  }
0x14: {  	s2 =	sld [smem:$0x3F9A];
	s0 =	simm.s32 @p1 $0x1  }
0x15: {  	[smem:$0x3FB7] =	sst s0;
	s0 =	simm.s32 @!p2 $0x0  }
0x16: {  	s3 =	sld [smem:$0x3FDB];
	s0 =	simm.s32 @p2 $0x1  }
0x17: {  	s4 =	simm.s32 $0x1BF5;
	[smem:$0x3FB9] =	sst s0  }
0x18: {  	s0 =	sld [smem:$0x3F9C];
	_ =	swait.ge [sflag:s4], $0x0  }
0x19: {  	s7 =	sld [smem:$0x3F9D]  }
0x1a: {  	s8 =	sadd.s32 $0xFFFFE003, lr  }
0x1b: {  	s9 =	sadd.s32 $0xFFFFFEF7, lr;
	s5 =	simm.s32 $0xFFFFFFFF;
	p2 =	slt.u32 s8, $0xFFFFF086  }
0x1c: {  	p1 =	slt.u32 s9, $0xF7A;
	s5 =	simm.s32 @!p2 $0x0  }
0x1d: {  	s5 =	simm.s32 @p1 $0x1;
	p0 =	seq.s32 s7, s2  }
0x1e: {  	s7 =	smul.u32 @!p0 $0xF7A, s2;
	p2 =	seq.s32 @!p0 s5, $0x0  }
0x1f: {  	s9 =	smul.u32 $0xF7A, s1;
	s8 =	simm.s32 @!p0 $0x1BF5;
	p2 =	por !p2, p0  }
0x20: {  	[sflag:s8] =	ssyncset.s32 @!p0 $0xFFFFF086;
	s6 =	sadd.s32 @!p0 s3, s7;
	s7 =	simm.s32 @!p0 $0x108  }
0x21: {  	s3 =	sadd.s32 s3, s9;
	s6 =	sadd.s32 @!p0 $0x88, s6;
	s7 =	simm.s32 @p2 $0x1082  }
0x22: {  	[simem:s7], [sflag:s8] =	dma.local @!p0 [hbm:s6], $0xF7A  }
0x23: {  	s9 =	sor.u32 $0xD0000000, s2;
	s6 =	simm.s32 $0x108;
	_ =	swait.ge @!p0 [sflag:s8], $0x0  }
0x24: {  	s3 =	sadd.s32 $0x88, s3;
	s6 =	simm.s32 @!p1 $0x1082;
	[sflag:s4] =	ssyncset.s32 $0xFFFFF086  }
0x25: {  	[simem:s6], [sflag:s4] =	dma.local [hbm:s3], $0xF7A  }
0x26: {  	[smem:$0x3F9D] =	sst s1;
	(tag) =	ssettag s2;
	_ =	strace s9  }
0x27: {  	s1 =	sld [smem:$0x3FAD]  }
0x28: {  	s2 =	sld [smem:$0x3FAE]  }
0x29: {  	s4 =	sld [smem:$0x3FB0]  }
0x2a: {  	p0 =	seq.s32 s5, $0x0;
	s5 =	sld [smem:$0x3FB1]  }
0x2b: {  	s6 =	sld [smem:$0x3FB2]  }
0x2c: {  	s7 =	sld [smem:$0x3FB3]  }
0x2d: {  	s3 =	simm.s32 $0x108;
	s8 =	sld [smem:$0x3FB4]  }
0x2e: {  	s3 =	simm.s32 @!p0 $0x1082;
	s9 =	sld [smem:$0x3FB5]  }
0x2f: {  	lr =	sadd.s32 s0, s3;
	s0 =	sld [smem:$0x3FAC]  }
0x30: {  	s3 =	sld [smem:$0x3FAF]  }
0x31: {  	[smem:$0x3FB8] =	sst s10  }
0x32: {  	s10 =	sld [smem:$0x3FB6];
	_ =	sdelay $0x3  }
0x33: {  	p0 =	seq.s32 s10, $0x1;
	s10 =	sld [smem:$0x3FB8];
	_ =	sdelay $0x3  }
0x34: {  	[smem:$0x3FB8] =	sst s10  }
0x35: {  	s10 =	sld [smem:$0x3FB7];
	_ =	sdelay $0x3  }
0x36: {  	p1 =	seq.s32 s10, $0x1;
	s10 =	sld [smem:$0x3FB8];
	_ =	sdelay $0x3  }
0x37: {  	[smem:$0x3FB8] =	sst s10  }
0x38: {  	s10 =	sld [smem:$0x3FB9]  }
0x39: {  	_ = 	snop;
	(pc) =	sbr.ind lr, $3  }
0x3a: {  	_ = 	snop  }
0x3b: {  	_ = 	snop  }
0x3c: {  	p2 =	seq.s32 s10, $0x1;
	s10 =	sld [smem:$0x3FB8]  }
0x3d: {  	_ =	shalt  }
0x3e: {  	_ =	shalt  }
0x3f: {  	_ =	shalt  }
0x40: {  	_ =	shalt  }
0x41: {  	_ =	shalt  }
0x42: {  	_ =	shalt  }
0x43: {  	_ =	shalt  }
0x44: {  	_ =	shalt  }
0x45: {  	_ =	shalt  }
0x46: {  	_ =	shalt  }
0x47: {  	_ =	shalt  }
0x48: {  	_ =	shalt  }
0x49: {  	_ =	shalt  }
0x4a: {  	_ =	shalt  }
0x4b: {  	_ =	shalt  }
0x4c: {  	_ =	shalt  }
0x4d: {  	_ =	shalt  }
0x4e: {  	_ =	shalt  }
0x4f: {  	_ =	shalt  }
0x50: {  	_ =	shalt  }
0x51: {  	_ =	shalt  }
0x52: {  	_ =	shalt  }
0x53: {  	_ =	shalt  }
0x54: {  	_ =	shalt  }
0x55: {  	_ =	shalt  }
0x56: {  	_ =	shalt  }
0x57: {  	_ =	shalt  }
0x58: {  	_ =	shalt  }
0x59: {  	_ =	shalt  }
0x5a: {  	_ =	shalt  }
0x5b: {  	_ =	shalt  }
0x5c: {  	_ =	shalt  }
0x5d: {  	_ =	shalt  }
0x5e: {  	_ =	shalt  }
0x5f: {  	_ =	shalt  }
0x60: {  	_ =	shalt  }
0x61: {  	_ =	shalt  }
0x62: {  	_ =	shalt  }
0x63: {  	_ =	shalt  }
0x64: {  	_ =	shalt  }
0x65: {  	_ =	shalt  }
0x66: {  	_ =	shalt  }
0x67: {  	_ =	shalt  }
0x68: {  	_ =	shalt  }
0x69: {  	_ =	shalt  }
0x6a: {  	_ =	shalt  }
0x6b: {  	_ =	shalt  }
0x6c: {  	_ =	shalt  }
0x6d: {  	_ =	shalt  }
0x6e: {  	_ =	shalt  }
0x6f: {  	_ =	shalt  }
0x70: {  	_ =	shalt  }
0x71: {  	_ =	shalt  }
0x72: {  	_ =	shalt  }
0x73: {  	_ =	shalt  }
0x74: {  	_ =	shalt  }
0x75: {  	_ =	shalt  }
0x76: {  	_ =	shalt  }
0x77: {  	_ =	shalt  }
0x78: {  	_ =	shalt  }
0x79: {  	_ =	shalt  }
0x7a: {  	_ =	shalt  }
0x7b: {  	_ =	shalt  }
0x7c: {  	_ =	shalt  }
0x7d: {  	_ =	shalt  }
0x7e: {  	_ =	shalt  }
0x7f: {  	_ =	shalt  }
0x80: {  	_ =	shalt  }
0x81: {  	_ =	shalt  }
0x82: {  	_ =	shalt  }
0x83: {  	_ =	shalt  }
0x84: {  	_ =	shalt  }
0x85: {  	_ =	shalt  }
0x86: {  	_ =	shalt  }
0x87: {  	_ =	shalt  }
.Lfunc_end0:
.L_simem_size_0:
called_computation_lowered:
.L_overlay_start_0:
0x88: {  	s2 =	sld [smem:$0x3FD9]  }
0x89: {  	s3 =	sld [smem:$0x3FFE];
	_ =	sdelay $0x1  }
0x8a: {  	s1 =	srdreg.scid  }
0x8b: {  	s0 =	sand.u32 $0x1, s1  }
0x8c: {  	s17 =	sshll.u32 s0, $0xA;
	s2 =	sadd.s32 s3, s2  }
0x8d: {  	s2 =	sadd.s32 s2, s17  }
0x8e: {  	[smem:$0x3FC4] =	sst s2  }
0x8f: {  	_ = 	snop  }
0x90: {  	s2 =	sld [smem:$0x3FC7];
	(tm) =	ssettm $0x1  }
0x91: {  	s18 =	sld [smem:$0x3FFB];
	_ =	sdelay $0x3  }
0x92: {  	_ =	strace s18  }
0x93: {  	s3 =	sld [smem:$0x3FFC];
	_ =	sdelay $0x3  }
0x94: {  	_ =	strace s3  }
0x95: {  	s3 =	sld [smem:$0x3FFD];
	_ =	sdelay $0x3  }
0x96: {  	_ =	strace s3  }
0x97: {  	_ =	strace $0x8FFFFFFF  }
0x98: {  	s19 =	sld [smem:$0x3FDB];
	_ =	sdelay $0x1  }
0x99: {  	s4 =	simm.s32 $_scs_section_size  }
0x9a: {  	s5 =	simm.s32 $_size__tile_overlayer_lowered;
	s6 =	simm.s32 $_tile_overlayer_lowered  }
0x9b: {  	s22 =	simm.s32 $0x1BFF;
	s21 =	sshll.u32 s6, $0x1;
	s3 =	sadd.s32 s4, s19  }
0x9c: {  	s7 =	simm.s32 $0x0;
	s20 =	sshll.u32 s5, $0x1;
	s5 =	sadd.s32 s21, s3  }
0x9d: {  	[timem:s7], [sflag:s22] =	dma.local [hbm:s5], s20  }
0x9e: {  	_ =	swait.ge [sflag:s22], s20  }
0x9f: {  	s4 =	ssub.s32 $0x0, s20;
	[sflag:s22] =	ssyncset.done $0x0  }
0xa0: {  	[sflag:s22] =	ssyncadd.s32 s4;
	_ =	sdelay $0x1  }
0xa1: {  	s23 =	simm.s32 $0x1B8B  }
0xa2: {  	_ =	swait.ge [sflag:s23], $0x1  }
0xa3: {  	[sflag:s23] =	ssyncset.done $0x0  }
0xa4: {  	s25 =	simm.s32 $0x1B8E;
	s24 =	sld [smem:$0x3FFE];
	[sflag:s23] =	ssyncadd.s32 $0xFFFFFFFF  }
0xa5: {  	s26 =	simm.s32 $execute0_lowered;
	[smem:$0x3FD2] =	sst s25  }
0xa6: {  	s5 =	sshll.u32 s26, $0x1;
	_ =	strace $0x80000046;
	[dreg:$0x1] =	wrdreg $0xFFFFFFFF  }
0xa7: {  	s28 =	simm.s32 $_size_execute0_lowered;
	s3 =	sadd.s32 s3, s5;
	[dreg:$0x0] =	wrdreg $0x0  }
0xa8: {  	s5 =	sshll.u32 s28, $0x1;
	[dreg:$0x2] =	wrdreg s3  }
0xa9: {  	[dreg:$0x3] =	wrdreg s5  }
0xaa: {  	[dreg:$0x4] =	wrdreg $0xC0  }
0xab: {  	_ =	task [dreg:s7], $0x5FFFF  }
0xac: {  	[dreg:$0x1] =	wrdreg $0xFFFFFFFF  }
0xad: {  	[dreg:$0x0] =	wrdreg $0x60  }
0xae: {  	[dreg:$0x2] =	wrdreg s2  }
0xaf: {  	[dreg:$0x3] =	wrdreg s24  }
0xb0: {  	[dreg:$0x4] =	wrdreg $0x9  }
0xb1: {  	_ =	task.clear_ibuf [dreg:s7], $0x5FFFF;
	_ =	strace $0x90000046  }
0xb2: {  	s29 =	simm.s32 $0x9;
	_ =	strace $0x80000048  }
0xb3: {  	_ =	swait.ge [sflag:s29], $0x1  }
0xb4: {  	[sflag:s29] =	ssyncadd.s32 $0xFFFFFFFF  }
0xb5: {  	_ =	strace $0x90000048  }
0xb6: {  	_ =	sfence  }
0xb7: {  	s30 =	sld [smem:$0x0];
	_ =	sdelay $0x2  }
0xb8: {  	s31 =	sshll.u32 s1, $0xD;
	s1 =	sshrl.u32 s1, $0x2  }
0xb9: {  	s3 =	sand.u32 $0x4000, s31;
	s1 =	sadd.s32 s1, s30  }
0xba: {  	s0 =	sor.u32 s3, s0;
	s1 =	sshll.u32 s1, $0x11  }
0xbb: {  	s0 =	sor.u32 s1, s0  }
0xbc: {  	s0 =	sadd.s32 $0x8F2B, s0  }
0xbd: {  	[sflag:s0] =	ssyncadd.remote.s32 $0x1  }
0xbe: {  	_ =	sfence.sel $0xFFFF  }
0xbf: {  	[dreg:$0x0] =	wrdreg $0xFFFFFFFF;
	(pc) =	sbr.abs _section_cstart, $3  }
0xc0: {  	[dreg:$0x1] =	wrdreg $0xFFFFFFFF  }
0xc1: {  	_ =	task.clear_ibuf [dreg:s7], $0x2FFFF;
	_ =	strace $0x9FFFFFFF  }
0xc2: {  	(tm) =	ssettm $0x7FFFFFFF  }
0xc3: {  	_ =	shalt  }
tec
execute0_lowered:
.L_overlay_start_1:
0x0: {  	(tag) =	ssettag $0x1  }
0x1: {  	s1 =	srdreg.scid  }
0x2: {  	s2 =	rddreg [dreg:$0x0];
	s0 =	stileid.u32  }
0x3: {  	s11 =	rddreg [dreg:$0x1];
	s5 =	simm.s32 $0x2;
	s1 =	sshll.u32 s1, $0x9  }
0x4: {  	s9 =	simm.s32 $0x3;
	s3 =	sshll.u32 s0, $0xA;
	s4 =	sand.u32 $0x200, s1  }
0x5: {  	s13 =	simm.s32 $0x0;
	s15 =	simm.s32 $0x0;
	s3 =	sor.u32 s3, s4  }
0x6: {  	s14 =	simm.s32 $0x0;
	s1 =	rddreg [dreg:$0x2];
	s4 =	sshrl.u32 s3, $0x3  }
0x7: {  	_ =	strace $0x80000047;
	s6 =	ssub.s32 $0x4000, s3;
	s8 =	sadd.s32 s4, s11  }
0x8: {  	s4 =	simm.s32 $0x1;
	s7 =	sand.u32 $0x3E00, s6;
	s10 =	sshrl.u32 s6, $0xE  }
.Ltmp0:
0x9: {  	s6 =	sadd.s32 $0x1200, s11;
	[sflag:s4] =	ssyncpa.u1 $0x0;
	(pc) =	sbr.rel .LBB2_1-.Ltmp0, $4  }
0xa: {  	p0 =	sne.s32 s7, $0x0;
	s7 =	simm.s32 $0x1;
	s8 =	sadd.s32 $0xA00, s8  }
0xb: {  	[sflag:s5] =	ssyncpa.u1 $0x0;
	s7 =	simm.s32 @!p0 $0x0;
	p0 =	por $0x0, $0x0  }
0xc: {  	[sflag:s9] =	ssyncpa.u1 $0x0;
	s7 =	sadd.s32 s7, s10;
	s9 =	sadd.s32 $0x5200, s11  }
0xd: {  	vm0 =	vmmov $0xffff;
	s10 =	sadd.s32 $0x9200, s11;
	s11 =	sadd.s32 $0xD200, s11;
	s12 =	sadd.s32 $0x1, s7  }
.LBB2_4:
0xe: {  	_ =	sdelay $0x3  }
0xf: {  	[tilespmem:s21], [sflag:$0x1] =	stream.indirect_vreg.gather [hbm4b:s2+s13], $0x1, v0, vm0, $0x4038;
	[tilespmem:$0x8400] =	vst v63  }
0x10: {  	s18 =	sshll.u32 s15, $0x3  }
0x11: {  	s24 =	sand.u32 $0x78, s15;
	s18 =	sand.u32 $0x7FFFFC00, s18  }
0x12: {  	_ =	swait.ge [sflag:s4], $0x4000;
	s15 =	sor.u32 s24, s18  }
0x13: {  	[sflag:s4] =	ssyncset.done $0x0;
	s15 =	sshrl.u32 s15, $0x3  }
0x14: {  	[sflag:s4] =	ssyncadd.s32 $0xFFFFC000;
	s25 =	sadd.s32 s6, s15  }
0x15: {  	[hbm:s25] =	stream.linear.scatter [tilespmem:s17], [sflag:$0x3], $0x1000, $0x38;
	[tilespmem:$0x8400] =	vst v63  }
0x16: {  	s26 =	sadd.s32 $0x1400, s16;
	s28 =	sadd.s32 s15, s9  }
0x17: {  	[hbm:s28] =	stream.linear.scatter [tilespmem:s26], [sflag:$0x3], $0x1000, $0x38;
	[tilespmem:$0x8400] =	vst v63  }
0x18: {  	s29 =	sadd.s32 $0x2400, s16;
	s30 =	sadd.s32 s15, s10  }
0x19: {  	[hbm:s30] =	stream.linear.scatter [tilespmem:s29], [sflag:$0x3], $0x1000, $0x38;
	[tilespmem:$0x8400] =	vst v63  }
0x1a: {  	s31 =	sadd.s32 $0x3400, s16;
	s15 =	sadd.s32 s15, s11  }
0x1b: {  	[hbm:s15] =	stream.linear.scatter [tilespmem:s31], [sflag:$0x3], $0x1000, $0x38;
	[tilespmem:$0x8400] =	vst v63  }
.LBB2_5:
0x1c: {  	p2 =	sne.s32 s14, s12  }
.Ltmp1:
0x1d: {  	p1 =	slt.u32 s14, $0x2;
	(pc) =	sbr.rel @!p2 .LBB2_6-.Ltmp1, $4  }
0x1e: {  	s15 =	simm.s32 @!p1 $0x3  }
0x1f: {  	_ =	swait.ge @!p1 [sflag:s15], $0x4000  }
0x20: {  	s16 =	sadd.s32 $0x1, s14;
	p0 =	por !p0, !p0;
	[sflag:s15] =	ssyncset.done @!p1 $0x0  }
0x21: {  	s14 =	smov.u32 s16;
	[sflag:s15] =	ssyncadd.s32 @!p1 $0xFFFFC000;
	s15 =	smov.u32 s3  }
.LBB2_1:
0x22: {  	p1 =	sge.u32 s14, s7  }
0x23: {  	s16 =	sxor.u32 @!p1 $0xFFFFFFFF, s14  }
0x24: {  	s16 =	sshll.u32 @!p1 s16, $0x9  }
0x25: {  	s31 =	sadd.s32 $0xFFFFFFFF, s14;
	s17 =	simm.s32 @!p1 $0x0;
	s16 =	sand.u32 @!p1 $0x200, s16  }
0x26: {  	[tilespmem:s16], [sflag:$0x2] =	stream.linear.gather @!p1 [hbm4b:s8+s17], $0x200, $0x38;
	[tilespmem:$0x8400] =	vst v63  }
0x27: {  	p1 =	sge.u32 s31, s7  }
.Ltmp2:
0x28: {  	_ = 	snop;
	(pc) =	sbr.rel @p1 .LBB2_5-.Ltmp2, $1  }
0x29: {  	_ =	sdelay $0x3  }
0x2a: {  	s16 =	simm.s32 $0x1;
	_ =	swait.ge [sflag:s5], $0x200  }
0x2b: {  	s16 =	simm.s32 @!p0 $0x0;
	[sflag:s5] =	ssyncset.done $0x0  }
0x2c: {  	s19 =	sshll.u32 s16, $0x9;
	[sflag:s5] =	ssyncadd.s32 $0xFFFFFE00  }
0x2d: {  	v0 =	vld.msk [tilespmem:s19+$0x0 ss:$0x1], $0xffff;
	_ =	sdelay $0x4  }
0x2e: {  	vm1 =	vgt.s32 v0, $0x0  }
0x2f: {  	v0 =	vnsel vm1, $0x0, v0  }
0x30: {  	v0 =	vmin.u32 v0, $0xF423F  }
0x31: {  	v1 =	vshll.u32 v0, $0x3  }
0x32: {  	v0 =	vand.u32 $0x7F, v0;
	v1 =	vand.u32 $0x7FFC00, v1  }
0x33: {  	s22 =	sshll.u32 s14, $0xE;
	v0 =	vor.u32 v0, v1  }
0x34: {  	s18 =	simm.s32 $0x0;
	s16 =	sand.u32 $0x4000, s22  }
0x35: {  	s20 =	sand.u32 $0xC00, s18;
	s17 =	sor.u32 $0x400, s16  }
0x36: {  	s21 =	sand.u32 $0x70, s18;
	(ifvalue) =	ssetifvalue $0x7FFFFFFF;
	s20 =	sadd.s32 s20, s17;
	v1 =	vor.u32 $0x80, v0  }
0x37: {  	(ifvalue) =	ssetifvalue $0x7FFFFFFF;
	s20 =	sadd.s32 s21, s20  }
0x38: {  	[tilespmem:s20], [sflag:$0x1] =	stream.indirect_vreg.gather [hbm4b:s2+s13], $0x1, v0, vm0, $0x4038;
	[tilespmem:$0x8400] =	vst v63  }
0x39: {  	v2 =	vor.u32 $0x100, v0;
	(ifvalue) =	ssetifvalue $0x7FFFFFFF  }
0x3a: {  	s21 =	sadd.s32 $0x80, s20;
	(ifvalue) =	ssetifvalue $0x7FFFFFFF  }
0x3b: {  	[tilespmem:s21], [sflag:$0x1] =	stream.indirect_vreg.gather [hbm4b:s2+s13], $0x1, v1, vm0, $0x4038;
	[tilespmem:$0x8400] =	vst v63  }
0x3c: {  	v1 =	vor.u32 $0x180, v0;
	(ifvalue) =	ssetifvalue $0x7FFFFFFF  }
0x3d: {  	s23 =	sadd.s32 $0x100, s20;
	(ifvalue) =	ssetifvalue $0x7FFFFFFF  }
0x3e: {  	[tilespmem:s23], [sflag:$0x1] =	stream.indirect_vreg.gather [hbm4b:s2+s13], $0x1, v2, vm0, $0x4038;
	[tilespmem:$0x8400] =	vst v63  }
0x3f: {  	v2 =	vor.u32 $0x200, v0;
	(ifvalue) =	ssetifvalue $0x7FFFFFFF  }
0x40: {  	s24 =	sadd.s32 $0x180, s20;
	(ifvalue) =	ssetifvalue $0x7FFFFFFF  }
0x41: {  	[tilespmem:s24], [sflag:$0x1] =	stream.indirect_vreg.gather [hbm4b:s2+s13], $0x1, v1, vm0, $0x4038;
	[tilespmem:$0x8400] =	vst v63  }
0x42: {  	(ifvalue) =	ssetifvalue $0x7FFFFFFF;
	v1 =	vor.u32 $0x280, v0  }
0x43: {  	s25 =	sadd.s32 $0x200, s20;
	(ifvalue) =	ssetifvalue $0x7FFFFFFF  }
0x44: {  	[tilespmem:s25], [sflag:$0x1] =	stream.indirect_vreg.gather [hbm4b:s2+s13], $0x1, v2, vm0, $0x4038;
	[tilespmem:$0x8400] =	vst v63  }
0x45: {  	(ifvalue) =	ssetifvalue $0x7FFFFFFF;
	v2 =	vor.u32 $0x300, v0  }
0x46: {  	s26 =	sadd.s32 $0x280, s20;
	(ifvalue) =	ssetifvalue $0x7FFFFFFF  }
0x47: {  	[tilespmem:s26], [sflag:$0x1] =	stream.indirect_vreg.gather [hbm4b:s2+s13], $0x1, v1, vm0, $0x4038;
	[tilespmem:$0x8400] =	vst v63  }
0x48: {  	(ifvalue) =	ssetifvalue $0x7FFFFFFF;
	v1 =	vor.u32 $0x380, v0  }
0x49: {  	s18 =	sor.u32 s18, s18;
	s28 =	sadd.s32 $0x300, s20;
	(ifvalue) =	ssetifvalue $0x7FFFFFFF  }
0x4a: {  	[tilespmem:s28], [sflag:$0x1] =	stream.indirect_vreg.gather [hbm4b:s2+s13], $0x1, v2, vm0, $0x4038;
	[tilespmem:$0x8400] =	vst v63  }
0x4b: {  	s18 =	sor.u32 $0x380, s18;
	(ifvalue) =	ssetifvalue $0x7FFFFFFF;
	v2 =	vadd.s32 $0x7A1400, v0  }
0x4c: {  	s18 =	sadd.s32 s18, s17;
	(ifvalue) =	ssetifvalue $0x7FFFFFFF  }
0x4d: {  	[tilespmem:s18], [sflag:$0x1] =	stream.indirect_vreg.gather [hbm4b:s2+s13], $0x1, v1, vm0, $0x4038;
	[tilespmem:$0x8400] =	vst v63  }
0x4e: {  	(ifvalue) =	ssetifvalue $0x7FFFFFFF;
	v1 =	vadd.s32 $0x7A1480, v0  }
0x4f: {  	s29 =	sadd.s32 $0x1000, s20;
	(ifvalue) =	ssetifvalue $0x7FFFFFFF  }
0x50: {  	[tilespmem:s29], [sflag:$0x1] =	stream.indirect_vreg.gather [hbm4b:s2+s13], $0x1, v2, vm0, $0x4038;
	[tilespmem:$0x8400] =	vst v63  }
0x51: {  	(ifvalue) =	ssetifvalue $0x7FFFFFFF;
	v2 =	vadd.s32 $0x7A1500, v0  }
0x52: {  	s30 =	sadd.s32 $0x1080, s20;
	(ifvalue) =	ssetifvalue $0x7FFFFFFF  }
0x53: {  	[tilespmem:s30], [sflag:$0x1] =	stream.indirect_vreg.gather [hbm4b:s2+s13], $0x1, v1, vm0, $0x4038;
	[tilespmem:$0x8400] =	vst v63  }
0x54: {  	(ifvalue) =	ssetifvalue $0x7FFFFFFF;
	v1 =	vadd.s32 $0x7A1580, v0  }
0x55: {  	s31 =	sadd.s32 $0x1100, s20;
	(ifvalue) =	ssetifvalue $0x7FFFFFFF  }
0x56: {  	[tilespmem:s31], [sflag:$0x1] =	stream.indirect_vreg.gather [hbm4b:s2+s13], $0x1, v2, vm0, $0x4038;
	[tilespmem:$0x8400] =	vst v63  }
0x57: {  	(ifvalue) =	ssetifvalue $0x7FFFFFFF;
	v2 =	vadd.s32 $0x7A1600, v0  }
0x58: {  	s21 =	sadd.s32 $0x1180, s20;
	(ifvalue) =	ssetifvalue $0x7FFFFFFF  }
0x59: {  	[tilespmem:s21], [sflag:$0x1] =	stream.indirect_vreg.gather [hbm4b:s2+s13], $0x1, v1, vm0, $0x4038;
	[tilespmem:$0x8400] =	vst v63  }
0x5a: {  	(ifvalue) =	ssetifvalue $0x7FFFFFFF;
	v1 =	vadd.s32 $0x7A1680, v0  }
0x5b: {  	s22 =	sadd.s32 $0x1200, s20;
	(ifvalue) =	ssetifvalue $0x7FFFFFFF  }
0x5c: {  	[tilespmem:s22], [sflag:$0x1] =	stream.indirect_vreg.gather [hbm4b:s2+s13], $0x1, v2, vm0, $0x4038;
	[tilespmem:$0x8400] =	vst v63  }
0x5d: {  	(ifvalue) =	ssetifvalue $0x7FFFFFFF;
	v2 =	vadd.s32 $0x7A1700, v0  }
0x5e: {  	s23 =	sadd.s32 $0x1280, s20;
	(ifvalue) =	ssetifvalue $0x7FFFFFFF  }
0x5f: {  	[tilespmem:s23], [sflag:$0x1] =	stream.indirect_vreg.gather [hbm4b:s2+s13], $0x1, v1, vm0, $0x4038;
	[tilespmem:$0x8400] =	vst v63  }
0x60: {  	(ifvalue) =	ssetifvalue $0x7FFFFFFF;
	v1 =	vadd.s32 $0x7A1780, v0  }
0x61: {  	s24 =	sadd.s32 $0x1300, s20;
	(ifvalue) =	ssetifvalue $0x7FFFFFFF  }
0x62: {  	[tilespmem:s24], [sflag:$0x1] =	stream.indirect_vreg.gather [hbm4b:s2+s13], $0x1, v2, vm0, $0x4038;
	[tilespmem:$0x8400] =	vst v63  }
0x63: {  	(ifvalue) =	ssetifvalue $0x7FFFFFFF;
	v2 =	vadd.s32 $0xF42800, v0  }
0x64: {  	s25 =	sadd.s32 $0x1380, s20;
	(ifvalue) =	ssetifvalue $0x7FFFFFFF  }
0x65: {  	[tilespmem:s25], [sflag:$0x1] =	stream.indirect_vreg.gather [hbm4b:s2+s13], $0x1, v1, vm0, $0x4038;
	[tilespmem:$0x8400] =	vst v63  }
0x66: {  	(ifvalue) =	ssetifvalue $0x7FFFFFFF;
	v1 =	vadd.s32 $0xF42880, v0  }
0x67: {  	s26 =	sadd.s32 $0x2000, s20;
	(ifvalue) =	ssetifvalue $0x7FFFFFFF  }
0x68: {  	[tilespmem:s26], [sflag:$0x1] =	stream.indirect_vreg.gather [hbm4b:s2+s13], $0x1, v2, vm0, $0x4038;
	[tilespmem:$0x8400] =	vst v63  }
0x69: {  	(ifvalue) =	ssetifvalue $0x7FFFFFFF;
	v2 =	vadd.s32 $0xF42900, v0  }
0x6a: {  	s28 =	sadd.s32 $0x2080, s20;
	(ifvalue) =	ssetifvalue $0x7FFFFFFF  }
0x6b: {  	[tilespmem:s28], [sflag:$0x1] =	stream.indirect_vreg.gather [hbm4b:s2+s13], $0x1, v1, vm0, $0x4038;
	[tilespmem:$0x8400] =	vst v63  }
0x6c: {  	(ifvalue) =	ssetifvalue $0x7FFFFFFF;
	v1 =	vadd.s32 $0xF42980, v0  }
0x6d: {  	s29 =	sadd.s32 $0x2100, s20;
	(ifvalue) =	ssetifvalue $0x7FFFFFFF  }
0x6e: {  	[tilespmem:s29], [sflag:$0x1] =	stream.indirect_vreg.gather [hbm4b:s2+s13], $0x1, v2, vm0, $0x4038;
	[tilespmem:$0x8400] =	vst v63  }
0x6f: {  	(ifvalue) =	ssetifvalue $0x7FFFFFFF;
	v2 =	vadd.s32 $0xF42A00, v0  }
0x70: {  	s30 =	sadd.s32 $0x2180, s20;
	(ifvalue) =	ssetifvalue $0x7FFFFFFF  }
0x71: {  	[tilespmem:s30], [sflag:$0x1] =	stream.indirect_vreg.gather [hbm4b:s2+s13], $0x1, v1, vm0, $0x4038;
	[tilespmem:$0x8400] =	vst v63  }
0x72: {  	(ifvalue) =	ssetifvalue $0x7FFFFFFF;
	v1 =	vadd.s32 $0xF42A80, v0  }
0x73: {  	s31 =	sadd.s32 $0x2200, s20;
	(ifvalue) =	ssetifvalue $0x7FFFFFFF  }
0x74: {  	[tilespmem:s31], [sflag:$0x1] =	stream.indirect_vreg.gather [hbm4b:s2+s13], $0x1, v2, vm0, $0x4038;
	[tilespmem:$0x8400] =	vst v63  }
0x75: {  	(ifvalue) =	ssetifvalue $0x7FFFFFFF;
	v2 =	vadd.s32 $0xF42B00, v0  }
0x76: {  	s21 =	sadd.s32 $0x2280, s20;
	(ifvalue) =	ssetifvalue $0x7FFFFFFF  }
0x77: {  	[tilespmem:s21], [sflag:$0x1] =	stream.indirect_vreg.gather [hbm4b:s2+s13], $0x1, v1, vm0, $0x4038;
	[tilespmem:$0x8400] =	vst v63  }
0x78: {  	(ifvalue) =	ssetifvalue $0x7FFFFFFF;
	v1 =	vadd.s32 $0xF42B80, v0  }
0x79: {  	s22 =	sadd.s32 $0x2300, s20;
	(ifvalue) =	ssetifvalue $0x7FFFFFFF  }
0x7a: {  	[tilespmem:s22], [sflag:$0x1] =	stream.indirect_vreg.gather [hbm4b:s2+s13], $0x1, v2, vm0, $0x4038;
	[tilespmem:$0x8400] =	vst v63  }
0x7b: {  	(ifvalue) =	ssetifvalue $0x7FFFFFFF;
	v2 =	vadd.s32 $0x16E3C00, v0  }
0x7c: {  	s23 =	sadd.s32 $0x2380, s20;
	(ifvalue) =	ssetifvalue $0x7FFFFFFF  }
0x7d: {  	[tilespmem:s23], [sflag:$0x1] =	stream.indirect_vreg.gather [hbm4b:s2+s13], $0x1, v1, vm0, $0x4038;
	[tilespmem:$0x8400] =	vst v63  }
0x7e: {  	(ifvalue) =	ssetifvalue $0x7FFFFFFF;
	v1 =	vadd.s32 $0x16E3C80, v0  }
0x7f: {  	s24 =	sadd.s32 $0x3000, s20;
	(ifvalue) =	ssetifvalue $0x7FFFFFFF  }
0x80: {  	[tilespmem:s24], [sflag:$0x1] =	stream.indirect_vreg.gather [hbm4b:s2+s13], $0x1, v2, vm0, $0x4038;
	[tilespmem:$0x8400] =	vst v63  }
0x81: {  	(ifvalue) =	ssetifvalue $0x7FFFFFFF;
	v2 =	vadd.s32 $0x16E3D00, v0  }
0x82: {  	s25 =	sadd.s32 $0x3080, s20;
	(ifvalue) =	ssetifvalue $0x7FFFFFFF  }
0x83: {  	[tilespmem:s25], [sflag:$0x1] =	stream.indirect_vreg.gather [hbm4b:s2+s13], $0x1, v1, vm0, $0x4038;
	[tilespmem:$0x8400] =	vst v63  }
0x84: {  	(ifvalue) =	ssetifvalue $0x7FFFFFFF;
	v1 =	vadd.s32 $0x16E3D80, v0  }
0x85: {  	s26 =	sadd.s32 $0x3100, s20;
	(ifvalue) =	ssetifvalue $0x7FFFFFFF  }
0x86: {  	[tilespmem:s26], [sflag:$0x1] =	stream.indirect_vreg.gather [hbm4b:s2+s13], $0x1, v2, vm0, $0x4038;
	[tilespmem:$0x8400] =	vst v63  }
0x87: {  	(ifvalue) =	ssetifvalue $0x7FFFFFFF;
	v2 =	vadd.s32 $0x16E3E00, v0  }
0x88: {  	s28 =	sadd.s32 $0x3180, s20;
	(ifvalue) =	ssetifvalue $0x7FFFFFFF  }
0x89: {  	[tilespmem:s28], [sflag:$0x1] =	stream.indirect_vreg.gather [hbm4b:s2+s13], $0x1, v1, vm0, $0x4038;
	[tilespmem:$0x8400] =	vst v63  }
0x8a: {  	(ifvalue) =	ssetifvalue $0x7FFFFFFF;
	v1 =	vadd.s32 $0x16E3E80, v0  }
0x8b: {  	s29 =	sadd.s32 $0x3200, s20;
	(ifvalue) =	ssetifvalue $0x7FFFFFFF  }
0x8c: {  	[tilespmem:s29], [sflag:$0x1] =	stream.indirect_vreg.gather [hbm4b:s2+s13], $0x1, v2, vm0, $0x4038;
	[tilespmem:$0x8400] =	vst v63  }
0x8d: {  	(ifvalue) =	ssetifvalue $0x7FFFFFFF;
	v2 =	vadd.s32 $0x16E3F00, v0  }
0x8e: {  	s30 =	sadd.s32 $0x3280, s20;
	(ifvalue) =	ssetifvalue $0x7FFFFFFF  }
0x8f: {  	[tilespmem:s30], [sflag:$0x1] =	stream.indirect_vreg.gather [hbm4b:s2+s13], $0x1, v1, vm0, $0x4038;
	[tilespmem:$0x8400] =	vst v63  }
0x90: {  	v0 =	vadd.s32 $0x16E3F80, v0;
	(ifvalue) =	ssetifvalue $0x7FFFFFFF  }
0x91: {  	s31 =	sadd.s32 $0x3300, s20;
	(ifvalue) =	ssetifvalue $0x7FFFFFFF  }
0x92: {  	[tilespmem:s31], [sflag:$0x1] =	stream.indirect_vreg.gather [hbm4b:s2+s13], $0x1, v2, vm0, $0x4038;
	[tilespmem:$0x8400] =	vst v63  }
0x93: {  	s19 =	sadd.s32 $0x10, s19;
	s18 =	simm.s32 $0x10;
	(ifvalue) =	ssetifvalue $0x7FFFFFFF  }
0x94: {  	s21 =	sadd.s32 $0x3380, s20;
	s20 =	simm.s32 $0x80;
	(ifvalue) =	ssetifvalue $0x7FFFFFFF  }
.LBB2_3:
0x95: {  	[tilespmem:s21], [sflag:$0x1] =	stream.indirect_vreg.gather [hbm4b:s2+s13], $0x1, v0, vm0, $0x4038;
	[tilespmem:$0x8400] =	vst v63  }
0x96: {  	p1 =	sne.s32 s18, $0x1F0;
	s22 =	smov.u32 s18;
	s18 =	sadd.s32 $0x10, s18;
	v0 =	vld.msk [tilespmem:s19+$0x0 ss:$0x1], $0xffff  }
0x97: {  	(ifvalue) =	ssetifvalue $0x7FFFFFFF;
	_ =	sdelay $0x4  }
0x98: {  	vm1 =	vgt.s32 v0, $0x0  }
0x99: {  	v0 =	vnsel vm1, $0x0, v0  }
0x9a: {  	v0 =	vmin.u32 v0, $0xF423F  }
0x9b: {  	v1 =	vshll.u32 v0, $0x3  }
0x9c: {  	v0 =	vand.u32 $0x7F, v0;
	v1 =	vand.u32 $0x7FFC00, v1  }
0x9d: {  	v0 =	vor.u32 v0, v1;
	_ =	sdelay $0x1  }
0x9e: {  	s21 =	sand.u32 $0xC00, s20  }
0x9f: {  	s23 =	sand.u32 $0x70, s22;
	s21 =	sadd.s32 s21, s17;
	v1 =	vor.u32 $0x80, v0  }
0xa0: {  	s21 =	sadd.s32 s23, s21;
	(ifvalue) =	ssetifvalue $0x7FFFFFFF  }
0xa1: {  	[tilespmem:s21], [sflag:$0x1] =	stream.indirect_vreg.gather [hbm4b:s2+s13], $0x1, v0, vm0, $0x4038;
	[tilespmem:$0x8400] =	vst v63  }
0xa2: {  	v2 =	vor.u32 $0x100, v0;
	(ifvalue) =	ssetifvalue $0x7FFFFFFF  }
0xa3: {  	s23 =	sadd.s32 $0x80, s21;
	(ifvalue) =	ssetifvalue $0x7FFFFFFF  }
0xa4: {  	[tilespmem:s23], [sflag:$0x1] =	stream.indirect_vreg.gather [hbm4b:s2+s13], $0x1, v1, vm0, $0x4038;
	[tilespmem:$0x8400] =	vst v63  }
0xa5: {  	v1 =	vor.u32 $0x180, v0;
	(ifvalue) =	ssetifvalue $0x7FFFFFFF  }
0xa6: {  	s23 =	sadd.s32 $0x100, s21;
	(ifvalue) =	ssetifvalue $0x7FFFFFFF  }
0xa7: {  	[tilespmem:s23], [sflag:$0x1] =	stream.indirect_vreg.gather [hbm4b:s2+s13], $0x1, v2, vm0, $0x4038;
	[tilespmem:$0x8400] =	vst v63  }
0xa8: {  	v2 =	vor.u32 $0x200, v0;
	(ifvalue) =	ssetifvalue $0x7FFFFFFF  }
0xa9: {  	s23 =	sadd.s32 $0x180, s21;
	(ifvalue) =	ssetifvalue $0x7FFFFFFF  }
0xaa: {  	[tilespmem:s23], [sflag:$0x1] =	stream.indirect_vreg.gather [hbm4b:s2+s13], $0x1, v1, vm0, $0x4038;
	[tilespmem:$0x8400] =	vst v63  }
0xab: {  	v1 =	vor.u32 $0x280, v0;
	(ifvalue) =	ssetifvalue $0x7FFFFFFF  }
0xac: {  	s23 =	sadd.s32 $0x200, s21;
	(ifvalue) =	ssetifvalue $0x7FFFFFFF  }
0xad: {  	[tilespmem:s23], [sflag:$0x1] =	stream.indirect_vreg.gather [hbm4b:s2+s13], $0x1, v2, vm0, $0x4038;
	[tilespmem:$0x8400] =	vst v63  }
0xae: {  	v2 =	vor.u32 $0x300, v0;
	(ifvalue) =	ssetifvalue $0x7FFFFFFF  }
0xaf: {  	s23 =	sadd.s32 $0x280, s21;
	(ifvalue) =	ssetifvalue $0x7FFFFFFF  }
0xb0: {  	[tilespmem:s23], [sflag:$0x1] =	stream.indirect_vreg.gather [hbm4b:s2+s13], $0x1, v1, vm0, $0x4038;
	[tilespmem:$0x8400] =	vst v63  }
0xb1: {  	v1 =	vor.u32 $0x380, v0;
	(ifvalue) =	ssetifvalue $0x7FFFFFFF  }
0xb2: {  	s22 =	sor.u32 s20, s22;
	s23 =	sadd.s32 $0x300, s21;
	(ifvalue) =	ssetifvalue $0x7FFFFFFF  }
0xb3: {  	[tilespmem:s23], [sflag:$0x1] =	stream.indirect_vreg.gather [hbm4b:s2+s13], $0x1, v2, vm0, $0x4038;
	[tilespmem:$0x8400] =	vst v63  }
0xb4: {  	s22 =	sor.u32 $0x380, s22;
	v2 =	vadd.s32 $0x7A1400, v0;
	(ifvalue) =	ssetifvalue $0x7FFFFFFF  }
0xb5: {  	s22 =	sadd.s32 s22, s17;
	(ifvalue) =	ssetifvalue $0x7FFFFFFF  }
0xb6: {  	[tilespmem:s22], [sflag:$0x1] =	stream.indirect_vreg.gather [hbm4b:s2+s13], $0x1, v1, vm0, $0x4038;
	[tilespmem:$0x8400] =	vst v63  }
0xb7: {  	v1 =	vadd.s32 $0x7A1480, v0;
	(ifvalue) =	ssetifvalue $0x7FFFFFFF  }
0xb8: {  	s22 =	sadd.s32 $0x1000, s21;
	(ifvalue) =	ssetifvalue $0x7FFFFFFF  }
0xb9: {  	[tilespmem:s22], [sflag:$0x1] =	stream.indirect_vreg.gather [hbm4b:s2+s13], $0x1, v2, vm0, $0x4038;
	[tilespmem:$0x8400] =	vst v63  }
0xba: {  	v2 =	vadd.s32 $0x7A1500, v0;
	(ifvalue) =	ssetifvalue $0x7FFFFFFF  }
0xbb: {  	s22 =	sadd.s32 $0x1080, s21;
	(ifvalue) =	ssetifvalue $0x7FFFFFFF  }
0xbc: {  	[tilespmem:s22], [sflag:$0x1] =	stream.indirect_vreg.gather [hbm4b:s2+s13], $0x1, v1, vm0, $0x4038;
	[tilespmem:$0x8400] =	vst v63  }
0xbd: {  	v1 =	vadd.s32 $0x7A1580, v0;
	(ifvalue) =	ssetifvalue $0x7FFFFFFF  }
0xbe: {  	s22 =	sadd.s32 $0x1100, s21;
	(ifvalue) =	ssetifvalue $0x7FFFFFFF  }
0xbf: {  	[tilespmem:s22], [sflag:$0x1] =	stream.indirect_vreg.gather [hbm4b:s2+s13], $0x1, v2, vm0, $0x4038;
	[tilespmem:$0x8400] =	vst v63  }
0xc0: {  	v2 =	vadd.s32 $0x7A1600, v0;
	(ifvalue) =	ssetifvalue $0x7FFFFFFF  }
0xc1: {  	s22 =	sadd.s32 $0x1180, s21;
	(ifvalue) =	ssetifvalue $0x7FFFFFFF  }
0xc2: {  	[tilespmem:s22], [sflag:$0x1] =	stream.indirect_vreg.gather [hbm4b:s2+s13], $0x1, v1, vm0, $0x4038;
	[tilespmem:$0x8400] =	vst v63  }
0xc3: {  	v1 =	vadd.s32 $0x7A1680, v0;
	(ifvalue) =	ssetifvalue $0x7FFFFFFF  }
0xc4: {  	s22 =	sadd.s32 $0x1200, s21;
	(ifvalue) =	ssetifvalue $0x7FFFFFFF  }
0xc5: {  	[tilespmem:s22], [sflag:$0x1] =	stream.indirect_vreg.gather [hbm4b:s2+s13], $0x1, v2, vm0, $0x4038;
	[tilespmem:$0x8400] =	vst v63  }
0xc6: {  	v2 =	vadd.s32 $0x7A1700, v0;
	(ifvalue) =	ssetifvalue $0x7FFFFFFF  }
0xc7: {  	s22 =	sadd.s32 $0x1280, s21;
	(ifvalue) =	ssetifvalue $0x7FFFFFFF  }
0xc8: {  	[tilespmem:s22], [sflag:$0x1] =	stream.indirect_vreg.gather [hbm4b:s2+s13], $0x1, v1, vm0, $0x4038;
	[tilespmem:$0x8400] =	vst v63  }
0xc9: {  	v1 =	vadd.s32 $0x7A1780, v0;
	(ifvalue) =	ssetifvalue $0x7FFFFFFF  }
0xca: {  	s22 =	sadd.s32 $0x1300, s21;
	(ifvalue) =	ssetifvalue $0x7FFFFFFF  }
0xcb: {  	[tilespmem:s22], [sflag:$0x1] =	stream.indirect_vreg.gather [hbm4b:s2+s13], $0x1, v2, vm0, $0x4038;
	[tilespmem:$0x8400] =	vst v63  }
0xcc: {  	v2 =	vadd.s32 $0xF42800, v0;
	(ifvalue) =	ssetifvalue $0x7FFFFFFF  }
0xcd: {  	s22 =	sadd.s32 $0x1380, s21;
	(ifvalue) =	ssetifvalue $0x7FFFFFFF  }
0xce: {  	[tilespmem:s22], [sflag:$0x1] =	stream.indirect_vreg.gather [hbm4b:s2+s13], $0x1, v1, vm0, $0x4038;
	[tilespmem:$0x8400] =	vst v63  }
0xcf: {  	v1 =	vadd.s32 $0xF42880, v0;
	(ifvalue) =	ssetifvalue $0x7FFFFFFF  }
0xd0: {  	s22 =	sadd.s32 $0x2000, s21;
	(ifvalue) =	ssetifvalue $0x7FFFFFFF  }
0xd1: {  	[tilespmem:s22], [sflag:$0x1] =	stream.indirect_vreg.gather [hbm4b:s2+s13], $0x1, v2, vm0, $0x4038;
	[tilespmem:$0x8400] =	vst v63  }
0xd2: {  	v2 =	vadd.s32 $0xF42900, v0;
	(ifvalue) =	ssetifvalue $0x7FFFFFFF  }
0xd3: {  	s22 =	sadd.s32 $0x2080, s21;
	(ifvalue) =	ssetifvalue $0x7FFFFFFF  }
0xd4: {  	[tilespmem:s22], [sflag:$0x1] =	stream.indirect_vreg.gather [hbm4b:s2+s13], $0x1, v1, vm0, $0x4038;
	[tilespmem:$0x8400] =	vst v63  }
0xd5: {  	v1 =	vadd.s32 $0xF42980, v0;
	(ifvalue) =	ssetifvalue $0x7FFFFFFF  }
0xd6: {  	s22 =	sadd.s32 $0x2100, s21;
	(ifvalue) =	ssetifvalue $0x7FFFFFFF  }
0xd7: {  	[tilespmem:s22], [sflag:$0x1] =	stream.indirect_vreg.gather [hbm4b:s2+s13], $0x1, v2, vm0, $0x4038;
	[tilespmem:$0x8400] =	vst v63  }
0xd8: {  	v2 =	vadd.s32 $0xF42A00, v0;
	(ifvalue) =	ssetifvalue $0x7FFFFFFF  }
0xd9: {  	s22 =	sadd.s32 $0x2180, s21;
	(ifvalue) =	ssetifvalue $0x7FFFFFFF  }
0xda: {  	[tilespmem:s22], [sflag:$0x1] =	stream.indirect_vreg.gather [hbm4b:s2+s13], $0x1, v1, vm0, $0x4038;
	[tilespmem:$0x8400] =	vst v63  }
0xdb: {  	v1 =	vadd.s32 $0xF42A80, v0;
	(ifvalue) =	ssetifvalue $0x7FFFFFFF  }
0xdc: {  	s22 =	sadd.s32 $0x2200, s21;
	(ifvalue) =	ssetifvalue $0x7FFFFFFF  }
0xdd: {  	[tilespmem:s22], [sflag:$0x1] =	stream.indirect_vreg.gather [hbm4b:s2+s13], $0x1, v2, vm0, $0x4038;
	[tilespmem:$0x8400] =	vst v63  }
0xde: {  	v2 =	vadd.s32 $0xF42B00, v0;
	(ifvalue) =	ssetifvalue $0x7FFFFFFF  }
0xdf: {  	s22 =	sadd.s32 $0x2280, s21;
	(ifvalue) =	ssetifvalue $0x7FFFFFFF  }
0xe0: {  	[tilespmem:s22], [sflag:$0x1] =	stream.indirect_vreg.gather [hbm4b:s2+s13], $0x1, v1, vm0, $0x4038;
	[tilespmem:$0x8400] =	vst v63  }
0xe1: {  	v1 =	vadd.s32 $0xF42B80, v0;
	(ifvalue) =	ssetifvalue $0x7FFFFFFF  }
0xe2: {  	s22 =	sadd.s32 $0x2300, s21;
	(ifvalue) =	ssetifvalue $0x7FFFFFFF  }
0xe3: {  	[tilespmem:s22], [sflag:$0x1] =	stream.indirect_vreg.gather [hbm4b:s2+s13], $0x1, v2, vm0, $0x4038;
	[tilespmem:$0x8400] =	vst v63  }
0xe4: {  	v2 =	vadd.s32 $0x16E3C00, v0;
	(ifvalue) =	ssetifvalue $0x7FFFFFFF  }
0xe5: {  	s22 =	sadd.s32 $0x2380, s21;
	(ifvalue) =	ssetifvalue $0x7FFFFFFF  }
0xe6: {  	[tilespmem:s22], [sflag:$0x1] =	stream.indirect_vreg.gather [hbm4b:s2+s13], $0x1, v1, vm0, $0x4038;
	[tilespmem:$0x8400] =	vst v63  }
0xe7: {  	v1 =	vadd.s32 $0x16E3C80, v0;
	(ifvalue) =	ssetifvalue $0x7FFFFFFF  }
0xe8: {  	s22 =	sadd.s32 $0x3000, s21;
	(ifvalue) =	ssetifvalue $0x7FFFFFFF  }
0xe9: {  	[tilespmem:s22], [sflag:$0x1] =	stream.indirect_vreg.gather [hbm4b:s2+s13], $0x1, v2, vm0, $0x4038;
	[tilespmem:$0x8400] =	vst v63  }
0xea: {  	v2 =	vadd.s32 $0x16E3D00, v0;
	(ifvalue) =	ssetifvalue $0x7FFFFFFF  }
0xeb: {  	s22 =	sadd.s32 $0x3080, s21;
	(ifvalue) =	ssetifvalue $0x7FFFFFFF  }
0xec: {  	[tilespmem:s22], [sflag:$0x1] =	stream.indirect_vreg.gather [hbm4b:s2+s13], $0x1, v1, vm0, $0x4038;
	[tilespmem:$0x8400] =	vst v63  }
0xed: {  	v1 =	vadd.s32 $0x16E3D80, v0;
	(ifvalue) =	ssetifvalue $0x7FFFFFFF  }
0xee: {  	s22 =	sadd.s32 $0x3100, s21;
	(ifvalue) =	ssetifvalue $0x7FFFFFFF  }
0xef: {  	[tilespmem:s22], [sflag:$0x1] =	stream.indirect_vreg.gather [hbm4b:s2+s13], $0x1, v2, vm0, $0x4038;
	[tilespmem:$0x8400] =	vst v63  }
0xf0: {  	v2 =	vadd.s32 $0x16E3E00, v0;
	(ifvalue) =	ssetifvalue $0x7FFFFFFF  }
0xf1: {  	s22 =	sadd.s32 $0x3180, s21;
	(ifvalue) =	ssetifvalue $0x7FFFFFFF  }
0xf2: {  	[tilespmem:s22], [sflag:$0x1] =	stream.indirect_vreg.gather [hbm4b:s2+s13], $0x1, v1, vm0, $0x4038;
	[tilespmem:$0x8400] =	vst v63  }
0xf3: {  	v1 =	vadd.s32 $0x16E3E80, v0;
	(ifvalue) =	ssetifvalue $0x7FFFFFFF  }
0xf4: {  	s22 =	sadd.s32 $0x3200, s21;
	(ifvalue) =	ssetifvalue $0x7FFFFFFF  }
0xf5: {  	[tilespmem:s22], [sflag:$0x1] =	stream.indirect_vreg.gather [hbm4b:s2+s13], $0x1, v2, vm0, $0x4038;
	[tilespmem:$0x8400] =	vst v63  }
0xf6: {  	v2 =	vadd.s32 $0x16E3F00, v0;
	(ifvalue) =	ssetifvalue $0x7FFFFFFF  }
0xf7: {  	s22 =	sadd.s32 $0x3280, s21;
	(ifvalue) =	ssetifvalue $0x7FFFFFFF  }
0xf8: {  	[tilespmem:s22], [sflag:$0x1] =	stream.indirect_vreg.gather [hbm4b:s2+s13], $0x1, v1, vm0, $0x4038;
	[tilespmem:$0x8400] =	vst v63  }
.Ltmp3:
0xf9: {  	v0 =	vadd.s32 $0x16E3F80, v0;
	(ifvalue) =	ssetifvalue $0x7FFFFFFF;
	(pc) =	sbr.rel @p1 .LBB2_3-.Ltmp3, $4  }
0xfa: {  	s22 =	sadd.s32 $0x3300, s21;
	(ifvalue) =	ssetifvalue $0x7FFFFFFF  }
0xfb: {  	[tilespmem:s22], [sflag:$0x1] =	stream.indirect_vreg.gather [hbm4b:s2+s13], $0x1, v2, vm0, $0x4038;
	[tilespmem:$0x8400] =	vst v63  }
0xfc: {  	s19 =	sadd.s32 $0x10, s19;
	(ifvalue) =	ssetifvalue $0x7FFFFFFF  }
0xfd: {  	s20 =	sadd.s32 $0x80, s20;
	s21 =	sadd.s32 $0x3380, s21;
	(ifvalue) =	ssetifvalue $0x7FFFFFFF  }
.Ltmp4:
0xfe: {  	_ = 	snop;
	(pc) =	sbr.rel .LBB2_4-.Ltmp4, $1  }
0xff: {  	_ =	sdelay $0x3  }
.LBB2_6:
0x100: {  	_ =	sfence.sel $0x180000  }
0x101: {  	s2 =	simm.s32 $0x2;
	[bflag:$0x0] =	sbarrier.arrive $0xFFFF  }
0x102: {  	s30 =	simm.s32 $0x3;
	[sflag:s2] =	ssyncpa.u1 $0x1  }
0x103: {  	s31 =	simm.s32 $0x1;
	[sflag:s30] =	ssyncpa.u1 $0x1  }
0x104: {  	[sflag:s31] =	ssyncpa.u1 $0x1  }
0x105: {  	p0 =	sne.s32 s0, $0x0;
	_ =	strace $0x90000047  }
0x106: {  	s0 =	sadd.s32 @!p0 $0x100000, s1;
	[bflag:$0x2] =	sbarrier.arrive $0xFFFF  }
0x107: {  	[sflag:s0] =	ssyncadd.tile.s32 @!p0 $0x1;
	_ =	shalt  }
.Lfunc_end2:
_tile_overlayer_lowered:
.L_overlay_start_2:
0x108: {  	(tag) =	ssettag $0x2  }
0x109: {  	s0 =	rddreg [dreg:$0x0];
	s2 =	stileid.u32  }
0x10a: {  	s1 =	rddreg [dreg:$0x1];
	p0 =	sne.s32 s2, $0x0  }
0x10b: {  	s3 =	rddreg [dreg:$0x2];
	[bflag:$0x3] =	sbarrier.arrive $0xFFFF;
	s2 =	simm.s32 @!p0 $0x1C01  }
0x10c: {  	[timem:s3], [sflag:s2] =	dma.local @!p0 [hbm:s0], s1  }
0x10d: {  	s0 =	simm.s32 @!p0 $0x1  }
0x10e: {  	_ =	swait.ge @!p0 [sflag:s0], s1  }
0x10f: {  	s1 =	ssub.s32 @!p0 $0x0, s1;
	[sflag:s0] =	ssyncset.done @!p0 $0x0  }
0x110: {  	[sflag:s0] =	ssyncadd.s32 @!p0 s1  }
0x111: {  	[bflag:$0x3] =	sbarrier.arrive $0xFFFF  }
0x112: {  	_ =	shalt  }

// kernel: kernel.4.cloned.1.call-start
scs
__scs_entry_jumppad:
0x0: {  	(pc) =	sbr.rel $0x88, $3  }
0x1: {  	(tag) =	ssettag $0x0;
	lr =	simm.s32 $0x1  }
0x2: {  	[smem:$0x3F9D] =	sst lr;
	_ =	strace $0xD0000000  }
0x3: {  	_ = 	snop  }
0x4: {  	_ = 	snop  }
0x5: {  	_ = 	snop  }
0x6: {  	_ = 	snop  }
0x7: {  	_ = 	snop  }
__scs_overlays_trampoline_lowered:
0x8: {  	[smem:$0x3FAC] =	sst s0  }
0x9: {  	[smem:$0x3FAD] =	sst s1  }
0xa: {  	[smem:$0x3FAE] =	sst s2  }
0xb: {  	[smem:$0x3FAF] =	sst s3  }
0xc: {  	[smem:$0x3FB0] =	sst s4  }
0xd: {  	[smem:$0x3FB1] =	sst s5  }
0xe: {  	[smem:$0x3FB2] =	sst s6  }
0xf: {  	[smem:$0x3FB3] =	sst s7  }
0x10: {  	[smem:$0x3FB4] =	sst s8  }
0x11: {  	[smem:$0x3FB5] =	sst s9;
	s0 =	simm.s32 @!p0 $0x0  }
0x12: {  	s1 =	sld [smem:$0x3F9B];
	s0 =	simm.s32 @p0 $0x1  }
0x13: {  	[smem:$0x3FB6] =	sst s0;
	s0 =	simm.s32 @!p1 $0x0  }
0x14: {  	s2 =	sld [smem:$0x3F9A];
	s0 =	simm.s32 @p1 $0x1  }
0x15: {  	[smem:$0x3FB7] =	sst s0;
	s0 =	simm.s32 @!p2 $0x0  }
0x16: {  	s3 =	sld [smem:$0x3FDB];
	s0 =	simm.s32 @p2 $0x1  }
0x17: {  	s4 =	simm.s32 $0x1BF5;
	[smem:$0x3FB9] =	sst s0  }
0x18: {  	s0 =	sld [smem:$0x3F9C];
	_ =	swait.ge [sflag:s4], $0x0  }
0x19: {  	s7 =	sld [smem:$0x3F9D]  }
0x1a: {  	s8 =	sadd.s32 $0xFFFFE003, lr  }
0x1b: {  	s9 =	sadd.s32 $0xFFFFFEF7, lr;
	s5 =	simm.s32 $0xFFFFFFFF;
	p2 =	slt.u32 s8, $0xFFFFF086  }
0x1c: {  	p1 =	slt.u32 s9, $0xF7A;
	s5 =	simm.s32 @!p2 $0x0  }
0x1d: {  	s5 =	simm.s32 @p1 $0x1;
	p0 =	seq.s32 s7, s2  }
0x1e: {  	s7 =	smul.u32 @!p0 $0xF7A, s2;
	p2 =	seq.s32 @!p0 s5, $0x0  }
0x1f: {  	s9 =	smul.u32 $0xF7A, s1;
	s8 =	simm.s32 @!p0 $0x1BF5;
	p2 =	por !p2, p0  }
0x20: {  	[sflag:s8] =	ssyncset.s32 @!p0 $0xFFFFF086;
	s6 =	sadd.s32 @!p0 s3, s7;
	s7 =	simm.s32 @!p0 $0x108  }
0x21: {  	s3 =	sadd.s32 s3, s9;
	s6 =	sadd.s32 @!p0 $0x88, s6;
	s7 =	simm.s32 @p2 $0x1082  }
0x22: {  	[simem:s7], [sflag:s8] =	dma.local @!p0 [hbm:s6], $0xF7A  }
0x23: {  	s9 =	sor.u32 $0xD0000000, s2;
	s6 =	simm.s32 $0x108;
	_ =	swait.ge @!p0 [sflag:s8], $0x0  }
0x24: {  	s3 =	sadd.s32 $0x88, s3;
	s6 =	simm.s32 @!p1 $0x1082;
	[sflag:s4] =	ssyncset.s32 $0xFFFFF086  }
0x25: {  	[simem:s6], [sflag:s4] =	dma.local [hbm:s3], $0xF7A  }
0x26: {  	[smem:$0x3F9D] =	sst s1;
	(tag) =	ssettag s2;
	_ =	strace s9  }
0x27: {  	s1 =	sld [smem:$0x3FAD]  }
0x28: {  	s2 =	sld [smem:$0x3FAE]  }
0x29: {  	s4 =	sld [smem:$0x3FB0]  }
0x2a: {  	p0 =	seq.s32 s5, $0x0;
	s5 =	sld [smem:$0x3FB1]  }
0x2b: {  	s6 =	sld [smem:$0x3FB2]  }
0x2c: {  	s7 =	sld [smem:$0x3FB3]  }
0x2d: {  	s3 =	simm.s32 $0x108;
	s8 =	sld [smem:$0x3FB4]  }
0x2e: {  	s3 =	simm.s32 @!p0 $0x1082;
	s9 =	sld [smem:$0x3FB5]  }
0x2f: {  	lr =	sadd.s32 s0, s3;
	s0 =	sld [smem:$0x3FAC]  }
0x30: {  	s3 =	sld [smem:$0x3FAF]  }
0x31: {  	[smem:$0x3FB8] =	sst s10  }
0x32: {  	s10 =	sld [smem:$0x3FB6];
	_ =	sdelay $0x3  }
0x33: {  	p0 =	seq.s32 s10, $0x1;
	s10 =	sld [smem:$0x3FB8];
	_ =	sdelay $0x3  }
0x34: {  	[smem:$0x3FB8] =	sst s10  }
0x35: {  	s10 =	sld [smem:$0x3FB7];
	_ =	sdelay $0x3  }
0x36: {  	p1 =	seq.s32 s10, $0x1;
	s10 =	sld [smem:$0x3FB8];
	_ =	sdelay $0x3  }
0x37: {  	[smem:$0x3FB8] =	sst s10  }
0x38: {  	s10 =	sld [smem:$0x3FB9]  }
0x39: {  	_ = 	snop;
	(pc) =	sbr.ind lr, $3  }
0x3a: {  	_ = 	snop  }
0x3b: {  	_ = 	snop  }
0x3c: {  	p2 =	seq.s32 s10, $0x1;
	s10 =	sld [smem:$0x3FB8]  }
0x3d: {  	_ =	shalt  }
0x3e: {  	_ =	shalt  }
0x3f: {  	_ =	shalt  }
0x40: {  	_ =	shalt  }
0x41: {  	_ =	shalt  }
0x42: {  	_ =	shalt  }
0x43: {  	_ =	shalt  }
0x44: {  	_ =	shalt  }
0x45: {  	_ =	shalt  }
0x46: {  	_ =	shalt  }
0x47: {  	_ =	shalt  }
0x48: {  	_ =	shalt  }
0x49: {  	_ =	shalt  }
0x4a: {  	_ =	shalt  }
0x4b: {  	_ =	shalt  }
0x4c: {  	_ =	shalt  }
0x4d: {  	_ =	shalt  }
0x4e: {  	_ =	shalt  }
0x4f: {  	_ =	shalt  }
0x50: {  	_ =	shalt  }
0x51: {  	_ =	shalt  }
0x52: {  	_ =	shalt  }
0x53: {  	_ =	shalt  }
0x54: {  	_ =	shalt  }
0x55: {  	_ =	shalt  }
0x56: {  	_ =	shalt  }
0x57: {  	_ =	shalt  }
0x58: {  	_ =	shalt  }
0x59: {  	_ =	shalt  }
0x5a: {  	_ =	shalt  }
0x5b: {  	_ =	shalt  }
0x5c: {  	_ =	shalt  }
0x5d: {  	_ =	shalt  }
0x5e: {  	_ =	shalt  }
0x5f: {  	_ =	shalt  }
0x60: {  	_ =	shalt  }
0x61: {  	_ =	shalt  }
0x62: {  	_ =	shalt  }
0x63: {  	_ =	shalt  }
0x64: {  	_ =	shalt  }
0x65: {  	_ =	shalt  }
0x66: {  	_ =	shalt  }
0x67: {  	_ =	shalt  }
0x68: {  	_ =	shalt  }
0x69: {  	_ =	shalt  }
0x6a: {  	_ =	shalt  }
0x6b: {  	_ =	shalt  }
0x6c: {  	_ =	shalt  }
0x6d: {  	_ =	shalt  }
0x6e: {  	_ =	shalt  }
0x6f: {  	_ =	shalt  }
0x70: {  	_ =	shalt  }
0x71: {  	_ =	shalt  }
0x72: {  	_ =	shalt  }
0x73: {  	_ =	shalt  }
0x74: {  	_ =	shalt  }
0x75: {  	_ =	shalt  }
0x76: {  	_ =	shalt  }
0x77: {  	_ =	shalt  }
0x78: {  	_ =	shalt  }
0x79: {  	_ =	shalt  }
0x7a: {  	_ =	shalt  }
0x7b: {  	_ =	shalt  }
0x7c: {  	_ =	shalt  }
0x7d: {  	_ =	shalt  }
0x7e: {  	_ =	shalt  }
0x7f: {  	_ =	shalt  }
0x80: {  	_ =	shalt  }
0x81: {  	_ =	shalt  }
0x82: {  	_ =	shalt  }
0x83: {  	_ =	shalt  }
0x84: {  	_ =	shalt  }
0x85: {  	_ =	shalt  }
0x86: {  	_ =	shalt  }
0x87: {  	_ =	shalt  }
.Lfunc_end0:
.L_simem_size_0:
called_computation.1_lowered:
.L_overlay_start_0:
0x88: {  	s2 =	sld [smem:$0x3FD9]  }
0x89: {  	s3 =	sld [smem:$0x3FFE];
	_ =	sdelay $0x1  }
0x8a: {  	s1 =	srdreg.scid  }
0x8b: {  	s0 =	sand.u32 $0x1, s1  }
0x8c: {  	s17 =	sshll.u32 s0, $0xA;
	s2 =	sadd.s32 s3, s2  }
0x8d: {  	s2 =	sadd.s32 s2, s17  }
0x8e: {  	[smem:$0x3FC4] =	sst s2  }
0x8f: {  	_ = 	snop  }
0x90: {  	s2 =	sld [smem:$0x3FD0];
	(tm) =	ssettm $0x1  }
0x91: {  	s18 =	sld [smem:$0x3FFB];
	_ =	sdelay $0x3  }
0x92: {  	_ =	strace s18  }
0x93: {  	s3 =	sld [smem:$0x3FFC];
	_ =	sdelay $0x3  }
0x94: {  	_ =	strace s3  }
0x95: {  	s3 =	sld [smem:$0x3FFD];
	_ =	sdelay $0x3  }
0x96: {  	_ =	strace s3  }
0x97: {  	_ =	strace $0x8FFFFFFF  }
0x98: {  	s19 =	sld [smem:$0x3FDB];
	_ =	sdelay $0x1  }
0x99: {  	s4 =	simm.s32 $_scs_section_size  }
0x9a: {  	s5 =	simm.s32 $_size__tile_overlayer_lowered;
	s6 =	simm.s32 $_tile_overlayer_lowered  }
0x9b: {  	s22 =	simm.s32 $0x1BFF;
	s21 =	sshll.u32 s6, $0x1;
	s3 =	sadd.s32 s4, s19  }
0x9c: {  	s7 =	simm.s32 $0x0;
	s20 =	sshll.u32 s5, $0x1;
	s5 =	sadd.s32 s21, s3  }
0x9d: {  	[timem:s7], [sflag:s22] =	dma.local [hbm:s5], s20  }
0x9e: {  	_ =	swait.ge [sflag:s22], s20  }
0x9f: {  	s4 =	ssub.s32 $0x0, s20;
	[sflag:s22] =	ssyncset.done $0x0  }
0xa0: {  	[sflag:s22] =	ssyncadd.s32 s4;
	_ =	sdelay $0x1  }
0xa1: {  	s23 =	simm.s32 $0x1B8B  }
0xa2: {  	_ =	swait.ge [sflag:s23], $0x1  }
0xa3: {  	[sflag:s23] =	ssyncset.done $0x0  }
0xa4: {  	s25 =	simm.s32 $0x1B8E;
	s24 =	sld [smem:$0x3FFE];
	[sflag:s23] =	ssyncadd.s32 $0xFFFFFFFF  }
0xa5: {  	s26 =	simm.s32 $execute0_lowered;
	[smem:$0x3FD2] =	sst s25  }
0xa6: {  	s5 =	sshll.u32 s26, $0x1;
	_ =	strace $0x80000049;
	[dreg:$0x1] =	wrdreg $0xFFFFFFFF  }
0xa7: {  	s28 =	simm.s32 $_size_execute0_lowered;
	s3 =	sadd.s32 s3, s5;
	[dreg:$0x0] =	wrdreg $0x0  }
0xa8: {  	s5 =	sshll.u32 s28, $0x1;
	[dreg:$0x2] =	wrdreg s3  }
0xa9: {  	[dreg:$0x3] =	wrdreg s5  }
0xaa: {  	[dreg:$0x4] =	wrdreg $0xC0  }
0xab: {  	_ =	task [dreg:s7], $0x5FFFF  }
0xac: {  	[dreg:$0x1] =	wrdreg $0xFFFFFFFF  }
0xad: {  	[dreg:$0x0] =	wrdreg $0x60  }
0xae: {  	[dreg:$0x2] =	wrdreg s24  }
0xaf: {  	[dreg:$0x3] =	wrdreg s2  }
0xb0: {  	[dreg:$0x4] =	wrdreg $0x9  }
0xb1: {  	_ =	task.clear_ibuf [dreg:s7], $0x5FFFF;
	_ =	strace $0x90000049  }
0xb2: {  	s29 =	simm.s32 $0x9;
	_ =	strace $0x8000004B  }
0xb3: {  	_ =	swait.ge [sflag:s29], $0x1  }
0xb4: {  	[sflag:s29] =	ssyncadd.s32 $0xFFFFFFFF  }
0xb5: {  	_ =	strace $0x9000004B  }
0xb6: {  	_ =	sfence  }
0xb7: {  	s30 =	sld [smem:$0x0];
	_ =	sdelay $0x2  }
0xb8: {  	s31 =	sshll.u32 s1, $0xD;
	s1 =	sshrl.u32 s1, $0x2  }
0xb9: {  	s3 =	sand.u32 $0x4000, s31;
	s1 =	sadd.s32 s1, s30  }
0xba: {  	s0 =	sor.u32 s3, s0;
	s1 =	sshll.u32 s1, $0x11  }
0xbb: {  	s0 =	sor.u32 s1, s0  }
0xbc: {  	s0 =	sadd.s32 $0x8F2B, s0  }
0xbd: {  	[sflag:s0] =	ssyncadd.remote.s32 $0x1  }
0xbe: {  	_ =	sfence.sel $0xFFFF  }
0xbf: {  	[dreg:$0x0] =	wrdreg $0xFFFFFFFF;
	(pc) =	sbr.abs _section_cstart, $3  }
0xc0: {  	[dreg:$0x1] =	wrdreg $0xFFFFFFFF  }
0xc1: {  	_ =	task.clear_ibuf [dreg:s7], $0x2FFFF;
	_ =	strace $0x9FFFFFFF  }
0xc2: {  	(tm) =	ssettm $0x7FFFFFFF  }
0xc3: {  	_ =	shalt  }
tec
execute0_lowered:
.L_overlay_start_1:
0x0: {  	(tag) =	ssettag $0x1  }
0x1: {  	s0 =	rddreg [dreg:$0x0]  }
0x2: {  	s1 =	rddreg [dreg:$0x1];
	s2 =	simm.s32 $0x0;
	s3 =	srdreg.scid  }
0x3: {  	s4 =	stileid.u32;
	s10 =	simm.s32 $0x1;
	s11 =	simm.s32 $0x64  }
0x4: {  	s12 =	simm.s32 $0xA800;
	s13 =	simm.s32 $0x68;
	s14 =	simm.s32 $0xB480  }
0x5: {  	s15 =	simm.s32 $0x2;
	s3 =	sand.u32 $0x1, s3;
	s4 =	sshll.u32 s4, $0x1  }
0x6: {  	s16 =	simm.s32 $0x3;
	s17 =	simm.s32 $0xC100;
	s4 =	sor.u32 s3, s4  }
0x7: {  	s18 =	simm.s32 $0x0;
	[smem:$0x7FF] =	sst s2;
	s6 =	smul.u32 $0xC80, s4  }
.Ltmp0:
0x8: {  	_ =	strace $0x8000004A;
	s7 =	ssub.s32 $0x2, s3;
	(pc) =	sbr.rel .LBB2_1-.Ltmp0, $4  }
0x9: {  	s5 =	sshll.u32 s4, $0xB;
	s8 =	sshrl.u32 s7, $0x1;
	s9 =	smul.u32 $0xD00, s4  }
0xa: {  	s3 =	sadd.s32 $0x11200, s0;
	s5 =	sadd.s32 s5, s0;
	s7 =	ssub.s32 s7, s8  }
0xb: {  	s0 =	sadd.s32 s6, s0;
	s4 =	sadd.s32 $0xA00, s5;
	s5 =	sadd.s32 s1, s9  }
0xc: {  	vm0 =	vcmask $0x3F3C;
	s7 =	smax.u32 s7, $0x1;
	s9 =	simm.s32 $0x4;
	s6 =	sadd.s32 $0x3F1200, s0  }
.LBB2_12:
0xd: {  	s18 =	sadd.s32 $0x1, s18  }
0xe: {  	p0 =	sne.s32 s18, s7  }
.Ltmp1:
0xf: {  	_ = 	snop;
	(pc) =	sbr.rel @!p0 .LBB2_13-.Ltmp1, $4  }
0x10: {  	[hbm4b:s6+s2] =	stream.linear.scatter [tilespmem:s17], [sflag:$0x4], $0x6400, $0x38;
	[tilespmem:$0x12510] =	vst v63  }
0x11: {  	_ =	swait.ge [sflag:s9], $0x6400  }
0x12: {  	[sflag:s9] =	ssyncset.done $0x0  }
0x13: {  	[sflag:s9] =	ssyncadd.s32 $0xFFFF9C00  }
.LBB2_1:
0x14: {  	s0 =	simm.s32 $0x6800  }
0x15: {  	[tilespmem:s0], [sflag:$0x1] =	stream.linear.gather [hbm4b:s4+s2], $0x4000, $0x38;
	[tilespmem:$0x12510] =	vst v63  }
0x16: {  	_ = 	snop  }
0x17: {  	[tilespmem:s2], [sflag:$0x4] =	stream.linear.gather [hbm4b:s5+s2], $0x6800, $0x38;
	[tilespmem:$0x12510] =	vst v63  }
0x18: {  	_ =	swait.ge [sflag:s9], $0x6800  }
0x19: {  	[sflag:s9] =	ssyncset.done $0x0  }
0x1a: {  	[sflag:s9] =	ssyncadd.s32 $0xFFFF9800  }
0x1b: {  	_ =	swait.ge [sflag:s10], $0x4000  }
0x1c: {  	s19 =	simm.s32 $0xC109;
	[sflag:s10] =	ssyncset.done $0x0  }
0x1d: {  	s20 =	simm.s32 $0xC13B;
	s21 =	simm.s32 $0xC16D;
	[sflag:s10] =	ssyncadd.s32 $0xFFFFC000  }
0x1e: {  	[tilespmem:s12], [sflag:$0x2] =	stream.indirect.gather [hbm4b:s3+s11], $0x20, s2, s11, $0xb8;
	[tilespmem:$0x12510] =	vst v63  }
0x1f: {  	s22 =	simm.s32 $0xC19F;
	s23 =	simm.s32 $0x0;
	s24 =	simm.s32 $0x0  }
0x20: {  	[tilespmem:s14], [sflag:$0x3] =	stream.indirect.gather [hbm4b:s3+s11], $0x20, s13, s11, $0xb8;
	[tilespmem:$0x12510] =	vst v63  }
.LBB2_2:
0x21: {  	_ =	swait.ge [sflag:s15], $0xC80  }
0x22: {  	s0 =	sshll.u32 s24, $0x7;
	[sflag:s15] =	ssyncset.done $0x0  }
0x23: {  	s25 =	sand.u32 $0x3FFFFF80, s0;
	[sflag:s15] =	ssyncadd.s32 $0xFFFFF380  }
0x24: {  	v0 =	vld [tilespmem:s25+$0x6800]  }
0x25: {  	s26 =	simm.s32 $0xA8A0;
	v1 =	vld [tilespmem:s25+$0x6810]  }
0x26: {  	v2 =	vld [tilespmem:s26+$0x80]  }
0x27: {  	v3 =	vld [tilespmem:s26+$0x90];
	_ =	sdelay $0x1  }
0x28: {  	v6 =	vld [tilespmem:s26+$0xFFFFFF80]  }
0x29: {  	v7 =	vld [tilespmem:s26+$0xFFFFFF90]  }
0x2a: {  	v4 =	vld [tilespmem:s26+$0xFFFFFF60]  }
0x2b: {  	v5 =	vld [tilespmem:s26+$0xFFFFFF70];
	v2 =	vmul.f32 v2, v0;
	v3 =	vmul.f32 v3, v1  }
0x2c: {  	v8 =	vld [tilespmem:s26+$0xFFFFFFA0]  }
0x2d: {  	v9 =	vld [tilespmem:s26+$0xFFFFFFB0];
	v2 =	vadd.f32 v3, v2  }
0x2e: {  	v10 =	vld [tilespmem:s26+$0xFFFFFFC0];
	v3 =	vmul.f32 v6, v0;
	v6 =	vmul.f32 v7, v1  }
0x2f: {  	v11 =	vld [tilespmem:s26+$0xFFFFFFD0];
	(xrf2) =	vadd.scan.msk.f32 $0xffff, v2  }
0x30: {  	v4 =	vmul.f32 v4, v0;
	v5 =	vmul.f32 v5, v1;
	v2 =	vadd.f32 v6, v3;
	v3 =	vld [tilespmem:s26+$0x10]  }
0x31: {  	v12 =	vld [tilespmem:s26+$0xFFFFFFE0]  }
0x32: {  	v60 =	vld [tilespmem:s26+$0x0];
	v59 =	vmul.f32 v9, v1;
	v4 =	vadd.f32 v5, v4;
	v5 =	vmul.f32 v8, v0  }
0x33: {  	v7 =	vld [tilespmem:s26+$0xFFFFFFF0]  }
0x34: {  	v61 =	vld [tilespmem:s26+$0x60];
	v10 =	vmul.f32 v10, v0;
	(xrf2) =	vadd.scan.msk.f32 $0xffff, v4;
	v4 =	vadd.f32 v59, v5  }
0x35: {  	v13 =	vld [tilespmem:s26+$0x70];
	v11 =	vmul.f32 v11, v1;
	(xrf2) =	vadd.scan.msk.f32 $0xffff, v2;
	v3 =	vmul.f32 v3, v1  }
0x36: {  	v5 =	vld [tilespmem:s26+$0x20];
	(xrf2) =	vadd.scan.msk.f32 $0xffff, v4  }
0x37: {  	v9 =	vmul.f32 v60, v0;
	v10 =	vadd.f32 v11, v10;
	v6 =	vld [tilespmem:s26+$0x30]  }
0x38: {  	v12 =	vmul.f32 v12, v0;
	v2 =	vld [tilespmem:s26+$0x40];
	v7 =	vmul.f32 v7, v1  }
0x39: {  	v4 =	vld [tilespmem:s26+$0x50];
	v9 =	vadd.f32 v3, v9;
	v3, _, _ =	vpop (xrf2);
	(xrf2) =	vadd.scan.msk.f32 $0xffff, v10  }
0x3a: {  	v7 =	vadd.f32 v7, v12  }
0x3b: {  	s26 =	sadd.s32 $0xFFFFFFF6, s23;
	v5 =	vmul.f32 v5, v0  }
0x3c: {  	s28 =	simm.s32 $0x0;
	v63 =	vmul.f32 v13, v1;
	s1 =	sadd.s32 $0xA, s26;
	(xrf2) =	vadd.scan.msk.f32 $0xffff, v7  }
0x3d: {  	s29 =	sand.u32 $0x6, s28;
	v8 =	vmul.f32 v61, v0;
	v6 =	vmul.f32 v6, v1;
	s0 =	sand.u32 $0xFFF8, s1  }
0x3e: {  	s30 =	sadd.s32 $0xC, s26;
	s1 =	simm.s32 $0x2;
	s0 =	sor.u32 s29, s0;
	v2 =	vmul.f32 v2, v0;
	v4 =	vmul.f32 v4, v1;
	[tilespmem:s19+$0x0] =	vst.msk vm0, v3;
	v62, _, _ =	vpop (xrf2)  }
0x3f: {  	s31 =	simm.s32 $0xFFFFFFF6;
	s8 =	sand.u32 $0xFFF8, s30;
	s1 =	sand.u32 $0x6, s1;
	v3 =	vadd.f32 v6, v5;
	[tilespmem:s0+$0xC100] =	vst.msk vm0, v62;
	v5, _, _ =	vpop (xrf2);
	(xrf2) =	vadd.scan.msk.f32 $0xffff, v9  }
0x40: {  	s30 =	smov.u32 s19;
	s1 =	sor.u32 s1, s8;
	v4 =	vadd.f32 v4, v2;
	v2 =	vadd.f32 v63, v8;
	s0 =	simm.s32 $0xA9E0;
	[tilespmem:s19+$0xFFFFFFF8] =	vst.msk vm0, v5;
	v5, _, _ =	vpop (xrf2)  }
.LBB2_3:
0x41: {  	v6 =	vld [tilespmem:s0+$0x80];
	[tilespmem:s1+$0xC100] =	vst.msk vm0, v5  }
0x42: {  	v5 =	vld [tilespmem:s0+$0x90];
	(xrf2) =	vadd.scan.msk.f32 $0xffff, v3  }
0x43: {  	v3 =	vld [tilespmem:s0+$0xFFFFFF60];
	v7, _, _ =	vpop (xrf2)  }
0x44: {  	s1 =	sadd.s32 $0xE, s31;
	s8 =	sadd.s32 $0xE, s26;
	v8 =	vld [tilespmem:s0+$0xFFFFFF70];
	[tilespmem:s30+$0xFFFFFFFA] =	vst.msk vm0, v7  }
0x45: {  	s8 =	sand.u32 $0xFFF8, s8;
	s1 =	sand.u32 $0x6, s1;
	v7 =	vld [tilespmem:s0+$0xFFFFFF80];
	(xrf2) =	vadd.scan.msk.f32 $0xffff, v4  }
0x46: {  	s1 =	sor.u32 s1, s8;
	v4 =	vld [tilespmem:s0+$0xFFFFFF90];
	v9, _, _ =	vpop (xrf2)  }
0x47: {  	v11 =	vmul.f32 v6, v0;
	v10 =	vld [tilespmem:s0+$0xFFFFFFA0];
	v5 =	vmul.f32 v5, v1;
	[tilespmem:s1+$0xC100] =	vst.msk vm0, v9  }
0x48: {  	v3 =	vmul.f32 v3, v0;
	v9 =	vld [tilespmem:s0+$0xFFFFFFB0];
	(xrf2) =	vadd.scan.msk.f32 $0xffff, v2  }
0x49: {  	v2 =	vmul.f32 v8, v1;
	v8 =	vld [tilespmem:s0+$0xFFFFFFC0];
	v5 =	vadd.f32 v5, v11;
	v6, _, _ =	vpop (xrf2)  }
0x4a: {  	s8 =	sadd.s32 $0x10, s26;
	s1 =	sadd.s32 $0x10, s31;
	s31 =	smov.u32 s28;
	v7 =	vmul.f32 v7, v0;
	v11 =	vld [tilespmem:s0+$0xFFFFFFD0];
	[tilespmem:s30+$0xFFFFFFFC] =	vst.msk vm0, v6  }
0x4b: {  	s8 =	sand.u32 $0xFFF8, s8;
	s1 =	sand.u32 $0x6, s1;
	v2 =	vadd.f32 v2, v3;
	v3 =	vmul.f32 v4, v1;
	v4 =	vld [tilespmem:s0+$0xFFFFFFE0];
	(xrf2) =	vadd.scan.msk.f32 $0xffff, v5  }
0x4c: {  	s1 =	sor.u32 s1, s8;
	v5 =	vmul.f32 v10, v0;
	v6 =	vld [tilespmem:s0+$0xFFFFFFF0];
	v10, _, _ =	vpop (xrf2)  }
0x4d: {  	v3 =	vadd.f32 v3, v7;
	v7 =	vmul.f32 v9, v1;
	v9 =	vld [tilespmem:s0+$0x0];
	[tilespmem:s1+$0xC100] =	vst.msk vm0, v10  }
0x4e: {  	v8 =	vmul.f32 v8, v0;
	v10 =	vld [tilespmem:s0+$0x10];
	(xrf2) =	vadd.scan.msk.f32 $0xffff, v2  }
0x4f: {  	v2 =	vadd.f32 v7, v5;
	v5 =	vmul.f32 v11, v1;
	v7 =	vld [tilespmem:s0+$0x20];
	v11, _, _ =	vpop (xrf2)  }
0x50: {  	s1 =	sadd.s32 $0x12, s26;
	v4 =	vmul.f32 v4, v0;
	v12 =	vld [tilespmem:s0+$0x30];
	[tilespmem:s30+$0xFFFFFFFE] =	vst.msk vm0, v11  }
0x51: {  	s1 =	sand.u32 $0xFFF8, s1;
	v5 =	vadd.f32 v5, v8;
	v6 =	vmul.f32 v6, v1;
	v8 =	vld [tilespmem:s0+$0x40];
	(xrf2) =	vadd.scan.msk.f32 $0xffff, v3  }
0x52: {  	s1 =	sor.u32 s29, s1;
	v14 =	vmul.f32 v9, v0;
	v9 =	vld [tilespmem:s0+$0x50];
	v11, _, _ =	vpop (xrf2)  }
0x53: {  	v6 =	vadd.f32 v6, v4;
	v4 =	vmul.f32 v10, v1;
	v10 =	vld [tilespmem:s0+$0x60];
	[tilespmem:s1+$0xC100] =	vst.msk vm0, v11  }
0x54: {  	v7 =	vmul.f32 v7, v0;
	v11 =	vld [tilespmem:s0+$0x70];
	(xrf2) =	vadd.scan.msk.f32 $0xffff, v2  }
0x55: {  	s26 =	sadd.s32 s28, s23;
	s30 =	sadd.s32 $0xA, s30;
	v13 =	vadd.f32 v4, v14;
	v2 =	vmul.f32 v12, v1;
	v3, _, _ =	vpop (xrf2)  }
0x56: {  	s28 =	sadd.s32 $0xA, s28;
	s1 =	sadd.s32 $0xA, s26;
	v4 =	vmul.f32 v8, v0;
	[tilespmem:s30+$0x0] =	vst.msk vm0, v3  }
0x57: {  	p0 =	slt.u32 s28, $0x28;
	s29 =	sand.u32 $0x6, s28;
	s1 =	sand.u32 $0xFFF8, s1;
	v3 =	vadd.f32 v2, v7;
	v2 =	vmul.f32 v9, v1;
	(xrf2) =	vadd.scan.msk.f32 $0xffff, v5  }
0x58: {  	s1 =	sor.u32 s29, s1;
	v8 =	vmul.f32 v10, v0;
	v7, _, _ =	vpop (xrf2)  }
0x59: {  	[tilespmem:s1+$0xC100] =	vst.msk vm0, v7;
	v4 =	vadd.f32 v2, v4;
	v2 =	vmul.f32 v11, v1  }
.Ltmp2:
0x5a: {  	(xrf2) =	vadd.scan.msk.f32 $0xffff, v6;
	(pc) =	sbr.rel @p0 .LBB2_3-.Ltmp2, $4  }
0x5b: {  	v2 =	vadd.f32 v2, v8;
	v5, _, _ =	vpop (xrf2)  }
0x5c: {  	s8 =	sadd.s32 $0xC, s26;
	s1 =	sadd.s32 $0xC, s31;
	[tilespmem:s30+$0xFFFFFFF8] =	vst.msk vm0, v5  }
0x5d: {  	s8 =	sand.u32 $0xFFF8, s8;
	s1 =	sand.u32 $0x6, s1;
	(xrf2) =	vadd.scan.msk.f32 $0xffff, v13  }
0x5e: {  	s0 =	sadd.s32 $0x140, s0;
	s1 =	sor.u32 s1, s8;
	v5, _, _ =	vpop (xrf2)  }
0x5f: {  	(xrf2) =	vadd.scan.msk.f32 $0xffff, v3  }
0x60: {  	(xrf2) =	vadd.scan.msk.f32 $0xffff, v4  }
0x61: {  	(xrf2) =	vadd.scan.msk.f32 $0xffff, v2;
	_ =	sdelay $0x3  }
0x62: {  	s0 =	sadd.s32 $0xE, s31;
	s8 =	sadd.s32 $0xE, s26  }
0x63: {  	[tilespmem:s1+$0xC100] =	vst.msk vm0, v5;
	s8 =	sand.u32 $0xFFF8, s8;
	s0 =	sand.u32 $0x6, s0;
	v0, _, _ =	vpop (xrf2)  }
0x64: {  	s28 =	sadd.s32 $0x10, s31;
	s31 =	sadd.s32 $0x10, s26;
	s0 =	sor.u32 s0, s8;
	[tilespmem:s30+$0xFFFFFFFA] =	vst.msk vm0, v0;
	v1, _, _ =	vpop (xrf2)  }
0x65: {  	s1 =	sand.u32 $0x6, s28;
	s8 =	sand.u32 $0xFFF8, s31;
	[tilespmem:s0+$0xC100] =	vst.msk vm0, v1;
	v0, _, _ =	vpop (xrf2)  }
0x66: {  	s26 =	sadd.s32 $0x12, s26;
	s0 =	sor.u32 s1, s8;
	[tilespmem:s30+$0xFFFFFFFC] =	vst.msk vm0, v0;
	v0, _, _ =	vpop (xrf2)  }
0x67: {  	s28 =	sand.u32 $0xFFF8, s26;
	[tilespmem:s0+$0xC100] =	vst.msk vm0, v0;
	v0, _, _ =	vpop (xrf2)  }
0x68: {  	s0 =	sor.u32 s29, s28;
	[tilespmem:s30+$0xFFFFFFFE] =	vst.msk vm0, v0;
	v0, _, _ =	vpop (xrf2)  }
0x69: {  	[tilespmem:s0+$0xC100] =	vst.msk vm0, v0  }
0x6a: {  	v0 =	vld [tilespmem:s25+$0x6820]  }
0x6b: {  	s31 =	simm.s32 $0xAF70;
	v1 =	vld [tilespmem:s25+$0x6830]  }
0x6c: {  	v2 =	vld [tilespmem:s31+$0xFFFFFFF0]  }
0x6d: {  	v3 =	vld [tilespmem:s31+$0x0]  }
0x6e: {  	v4 =	vld [tilespmem:s31+$0xFFFFFEF0]  }
0x6f: {  	v5 =	vld [tilespmem:s31+$0xFFFFFF00]  }
0x70: {  	v6 =	vld [tilespmem:s31+$0xFFFFFF10]  }
0x71: {  	v7 =	vld [tilespmem:s31+$0xFFFFFF20]  }
0x72: {  	v8 =	vld [tilespmem:s31+$0xFFFFFF30];
	v2 =	vmul.f32 v2, v0;
	v3 =	vmul.f32 v3, v1  }
0x73: {  	v9 =	vld [tilespmem:s31+$0xFFFFFF40]  }
0x74: {  	v10 =	vld [tilespmem:s31+$0xFFFFFEE0];
	v4 =	vmul.f32 v4, v0;
	v2 =	vadd.f32 v3, v2;
	v3 =	vmul.f32 v5, v1  }
0x75: {  	v11 =	vld [tilespmem:s31+$0xFFFFFF50]  }
0x76: {  	v5 =	vld [tilespmem:s31+$0xFFFFFF60];
	(xrf2) =	vadd.scan.msk.f32 $0xffff, v2;
	v2 =	vadd.f32 v3, v4  }
0x77: {  	v12 =	vld [tilespmem:s31+$0xFFFFFF70];
	v6 =	vmul.f32 v6, v0;
	v7 =	vmul.f32 v7, v1  }
0x78: {  	v60 =	vld [tilespmem:s31+$0xFFFFFFB0];
	v59 =	vmul.f32 v9, v1;
	v3 =	vmul.f32 v8, v0;
	(xrf2) =	vadd.scan.msk.f32 $0xffff, v2  }
0x79: {  	v6 =	vadd.f32 v7, v6;
	v4 =	vld [tilespmem:s31+$0xFFFFFF80]  }
0x7a: {  	v61 =	vld [tilespmem:s31+$0xFFFFFFD0];
	v3 =	vadd.f32 v59, v3  }
0x7b: {  	v11 =	vmul.f32 v11, v0;
	v7 =	vld [tilespmem:s31+$0xFFFFFF90];
	(xrf2) =	vadd.scan.msk.f32 $0xffff, v6;
	v5 =	vmul.f32 v5, v1  }
0x7c: {  	(xrf2) =	vadd.scan.msk.f32 $0xffff, v3;
	v3 =	vld [tilespmem:s31+$0xFFFFFED0]  }
0x7d: {  	v13 =	vld [tilespmem:s31+$0xFFFFFFE0];
	v5 =	vadd.f32 v5, v11  }
0x7e: {  	v12 =	vmul.f32 v12, v0;
	v2 =	vld [tilespmem:s31+$0xFFFFFFA0];
	v4 =	vmul.f32 v4, v1  }
0x7f: {  	v6 =	vld [tilespmem:s31+$0xFFFFFFC0];
	(xrf2) =	vadd.scan.msk.f32 $0xffff, v5  }
0x80: {  	v10 =	vmul.f32 v10, v1;
	v4 =	vadd.f32 v4, v12  }
0x81: {  	v7 =	vmul.f32 v7, v0;
	v3 =	vmul.f32 v3, v0;
	v62, _, _ =	vpop (xrf2)  }
0x82: {  	v5 =	vmul.f32 v13, v1;
	v63, _, _ =	vpop (xrf2);
	(xrf2) =	vadd.scan.msk.f32 $0xffff, v4  }
0x83: {  	v9 =	vmul.f32 v61, v0;
	v2 =	vmul.f32 v2, v1;
	v10 =	vadd.f32 v10, v3  }
0x84: {  	v8 =	vmul.f32 v60, v0;
	v6 =	vmul.f32 v6, v1;
	[tilespmem:s20+$0x0] =	vst.msk vm0, v62  }
0x85: {  	v3 =	vadd.f32 v2, v7;
	[tilespmem:s20+$0xFFFFFFF8] =	vst.msk vm0, v63;
	v7, _, _ =	vpop (xrf2);
	(xrf2) =	vadd.scan.msk.f32 $0xffff, v10  }
0x86: {  	s26 =	simm.s32 $0xB0B0;
	s0 =	smov.u32 s20;
	s25 =	simm.s32 $0x0;
	v2 =	vadd.f32 v5, v9;
	v4 =	vadd.f32 v6, v8;
	[tilespmem:s20+$0xFFFFFFF9] =	vst.msk vm0, v7;
	v5, _, _ =	vpop (xrf2)  }
.LBB2_5:
0x87: {  	v6 =	vld [tilespmem:s26+$0xFFFFFFF0];
	[tilespmem:s0+$0xFFFFFFFA] =	vst.msk vm0, v5  }
0x88: {  	s25 =	sadd.s32 $0xA, s25;
	v5 =	vld [tilespmem:s26+$0x0];
	(xrf2) =	vadd.scan.msk.f32 $0xffff, v3  }
0x89: {  	p0 =	slt.u32 s25, $0x28;
	v3 =	vld [tilespmem:s26+$0xFFFFFEE0];
	v7, _, _ =	vpop (xrf2)  }
0x8a: {  	v8 =	vld [tilespmem:s26+$0xFFFFFEF0];
	[tilespmem:s0+$0xFFFFFFFB] =	vst.msk vm0, v7  }
0x8b: {  	v7 =	vld [tilespmem:s26+$0xFFFFFF00];
	(xrf2) =	vadd.scan.msk.f32 $0xffff, v4  }
0x8c: {  	v4 =	vld [tilespmem:s26+$0xFFFFFF10];
	v9, _, _ =	vpop (xrf2)  }
0x8d: {  	v11 =	vmul.f32 v6, v0;
	v10 =	vld [tilespmem:s26+$0xFFFFFF20];
	v5 =	vmul.f32 v5, v1;
	[tilespmem:s0+$0xFFFFFFFC] =	vst.msk vm0, v9  }
0x8e: {  	v9 =	vmul.f32 v3, v1;
	v3 =	vld [tilespmem:s26+$0xFFFFFF30];
	(xrf2) =	vadd.scan.msk.f32 $0xffff, v2  }
0x8f: {  	v2 =	vmul.f32 v8, v0;
	v8 =	vld [tilespmem:s26+$0xFFFFFF40];
	v5 =	vadd.f32 v5, v11;
	v6, _, _ =	vpop (xrf2)  }
0x90: {  	v7 =	vmul.f32 v7, v1;
	v11 =	vld [tilespmem:s26+$0xFFFFFF50];
	[tilespmem:s0+$0xFFFFFFF7] =	vst.msk vm0, v6  }
0x91: {  	v4 =	vmul.f32 v4, v0;
	v6 =	vld [tilespmem:s26+$0xFFFFFF60];
	(xrf2) =	vadd.scan.msk.f32 $0xffff, v5  }
0x92: {  	v2 =	vadd.f32 v7, v2;
	v5 =	vmul.f32 v10, v1;
	v7 =	vld [tilespmem:s26+$0xFFFFFF70];
	v10, _, _ =	vpop (xrf2)  }
0x93: {  	v3 =	vmul.f32 v3, v0;
	v12 =	vld [tilespmem:s26+$0xFFFFFF80];
	[tilespmem:s0+$0xFFFFFFFD] =	vst.msk vm0, v10  }
0x94: {  	v4 =	vadd.f32 v5, v4;
	v5 =	vmul.f32 v8, v1;
	v8 =	vld [tilespmem:s26+$0xFFFFFF90];
	(xrf2) =	vadd.scan.msk.f32 $0xffff, v2  }
0x95: {  	v2 =	vmul.f32 v11, v0;
	v10 =	vld [tilespmem:s26+$0xFFFFFFA0];
	v11, _, _ =	vpop (xrf2)  }
0x96: {  	v3 =	vadd.f32 v5, v3;
	v5 =	vmul.f32 v6, v1;
	v6 =	vld [tilespmem:s26+$0xFFFFFFB0];
	[tilespmem:s0+$0xFFFFFFFE] =	vst.msk vm0, v11  }
0x97: {  	v7 =	vmul.f32 v7, v0;
	v11 =	vld [tilespmem:s26+$0xFFFFFFC0];
	(xrf2) =	vadd.scan.msk.f32 $0xffff, v4  }
0x98: {  	v2 =	vadd.f32 v5, v2;
	v4 =	vmul.f32 v12, v1;
	v5 =	vld [tilespmem:s26+$0xFFFFFFD0];
	v12, _, _ =	vpop (xrf2)  }
0x99: {  	v8 =	vmul.f32 v8, v0;
	v13 =	vld [tilespmem:s26+$0xFFFFFFE0];
	[tilespmem:s0+$0xFFFFFFFF] =	vst.msk vm0, v12  }
0x9a: {  	v12 =	vld [tilespmem:s26+$0xFFFFFED0];
	v7 =	vadd.f32 v4, v7;
	v4 =	vmul.f32 v10, v1;
	(xrf2) =	vadd.scan.msk.f32 $0xffff, v3  }
0x9b: {  	s0 =	sadd.s32 $0xA, s0;
	v14 =	vmul.f32 v6, v0;
	v10, _, _ =	vpop (xrf2)  }
0x9c: {  	v3 =	vadd.f32 v4, v8;
	v4 =	vmul.f32 v11, v1;
	[tilespmem:s0+$0x0] =	vst.msk vm0, v10  }
0x9d: {  	v5 =	vmul.f32 v5, v0;
	(xrf2) =	vadd.scan.msk.f32 $0xffff, v2  }
0x9e: {  	v4 =	vadd.f32 v4, v14;
	v2 =	vmul.f32 v13, v1;
	v6, _, _ =	vpop (xrf2)  }
0x9f: {  	v8 =	vmul.f32 v12, v0;
	[tilespmem:s0+$0xFFFFFFF8] =	vst.msk vm0, v6  }
.Ltmp3:
0xa0: {  	v2 =	vadd.f32 v2, v5;
	(xrf2) =	vadd.scan.msk.f32 $0xffff, v7;
	(pc) =	sbr.rel @p0 .LBB2_5-.Ltmp3, $4  }
0xa1: {  	v7 =	vadd.f32 v9, v8;
	v6, _, _ =	vpop (xrf2)  }
0xa2: {  	[tilespmem:s0+$0xFFFFFFF9] =	vst.msk vm0, v6  }
0xa3: {  	(xrf2) =	vadd.scan.msk.f32 $0xffff, v7  }
0xa4: {  	s26 =	sadd.s32 $0x140, s26;
	v5, _, _ =	vpop (xrf2)  }
0xa5: {  	(xrf2) =	vadd.scan.msk.f32 $0xffff, v3  }
0xa6: {  	(xrf2) =	vadd.scan.msk.f32 $0xffff, v4  }
0xa7: {  	(xrf2) =	vadd.scan.msk.f32 $0xffff, v2;
	_ =	sdelay $0x4  }
0xa8: {  	[tilespmem:s0+$0xFFFFFFFA] =	vst.msk vm0, v5;
	v0, _, _ =	vpop (xrf2)  }
0xa9: {  	[tilespmem:s0+$0xFFFFFFFB] =	vst.msk vm0, v0;
	v1, _, _ =	vpop (xrf2)  }
0xaa: {  	p0 =	seq.s32 s24, $0x7F;
	[tilespmem:s0+$0xFFFFFFFC] =	vst.msk vm0, v1;
	v0, _, _ =	vpop (xrf2)  }
0xab: {  	s1 =	smul.u32 @!p0 $0x340, s24;
	[tilespmem:s0+$0xFFFFFFF7] =	vst.msk vm0, v0;
	v0, _, _ =	vpop (xrf2)  }
0xac: {  	[tilespmem:s0+$0xFFFFFFFD] =	vst.msk vm0, v0;
	v0, _, _ =	vpop (xrf2)  }
0xad: {  	s8 =	sshll.u32 s24, $0x1;
	s1 =	sshra.s32 @!p0 s1, $0x2;
	[tilespmem:s0+$0xFFFFFFFE] =	vst.msk vm0, v0;
	v0, _, _ =	vpop (xrf2)  }
0xae: {  	s25 =	simm.s32 @!p0 $0xA800;
	[tilespmem:s0+$0xFFFFFFFF] =	vst.msk vm0, v0;
	s0 =	sadd.s32 @!p0 $0xD0, s1;
	s1 =	simm.s32 @!p0 $0x64  }
0xaf: {  	[tilespmem:s25], [sflag:$0x2] =	stream.indirect.gather @!p0 [hbm4b:s3+s1], $0x20, s0, s1, $0xb8;
	[tilespmem:$0x12510] =	vst v63  }
0xb0: {  	s30 =	sshll.u32 s8, $0x6;
	_ =	swait.ge [sflag:s16], $0xC80  }
0xb1: {  	s0 =	sor.u32 $0x40, s30;
	[sflag:s16] =	ssyncset.done $0x0  }
0xb2: {  	s25 =	sand.u32 $0x3FFFFFC0, s0;
	[sflag:s16] =	ssyncadd.s32 $0xFFFFF380  }
0xb3: {  	v0 =	vld [tilespmem:s25+$0x6800]  }
0xb4: {  	s31 =	simm.s32 $0xB5B0;
	v1 =	vld [tilespmem:s25+$0x6810]  }
0xb5: {  	v2 =	vld [tilespmem:s31+$0xFFFFFFF0]  }
0xb6: {  	v3 =	vld [tilespmem:s31+$0x0]  }
0xb7: {  	v4 =	vld [tilespmem:s31+$0xFFFFFEF0]  }
0xb8: {  	v5 =	vld [tilespmem:s31+$0xFFFFFF00]  }
0xb9: {  	v6 =	vld [tilespmem:s31+$0xFFFFFF10]  }
0xba: {  	v7 =	vld [tilespmem:s31+$0xFFFFFF20]  }
0xbb: {  	v8 =	vld [tilespmem:s31+$0xFFFFFF30];
	v2 =	vmul.f32 v2, v0;
	v3 =	vmul.f32 v3, v1  }
0xbc: {  	v9 =	vld [tilespmem:s31+$0xFFFFFF40]  }
0xbd: {  	v10 =	vld [tilespmem:s31+$0xFFFFFEE0];
	v4 =	vmul.f32 v4, v0;
	v2 =	vadd.f32 v3, v2;
	v3 =	vmul.f32 v5, v1  }
0xbe: {  	v11 =	vld [tilespmem:s31+$0xFFFFFF50]  }
0xbf: {  	v5 =	vld [tilespmem:s31+$0xFFFFFF60];
	(xrf2) =	vadd.scan.msk.f32 $0xffff, v2;
	v2 =	vadd.f32 v3, v4  }
0xc0: {  	v12 =	vld [tilespmem:s31+$0xFFFFFF70];
	v6 =	vmul.f32 v6, v0;
	v7 =	vmul.f32 v7, v1  }
0xc1: {  	v60 =	vld [tilespmem:s31+$0xFFFFFFB0];
	v59 =	vmul.f32 v9, v1;
	v3 =	vmul.f32 v8, v0;
	(xrf2) =	vadd.scan.msk.f32 $0xffff, v2  }
0xc2: {  	v6 =	vadd.f32 v7, v6;
	v4 =	vld [tilespmem:s31+$0xFFFFFF80]  }
0xc3: {  	v61 =	vld [tilespmem:s31+$0xFFFFFFD0];
	v3 =	vadd.f32 v59, v3  }
0xc4: {  	v11 =	vmul.f32 v11, v0;
	v7 =	vld [tilespmem:s31+$0xFFFFFF90];
	(xrf2) =	vadd.scan.msk.f32 $0xffff, v6;
	v5 =	vmul.f32 v5, v1  }
0xc5: {  	(xrf2) =	vadd.scan.msk.f32 $0xffff, v3;
	v3 =	vld [tilespmem:s31+$0xFFFFFED0]  }
0xc6: {  	v13 =	vld [tilespmem:s31+$0xFFFFFFE0];
	v5 =	vadd.f32 v5, v11  }
0xc7: {  	v12 =	vmul.f32 v12, v0;
	v2 =	vld [tilespmem:s31+$0xFFFFFFA0];
	v4 =	vmul.f32 v4, v1  }
0xc8: {  	v6 =	vld [tilespmem:s31+$0xFFFFFFC0];
	(xrf2) =	vadd.scan.msk.f32 $0xffff, v5  }
0xc9: {  	v10 =	vmul.f32 v10, v1;
	v4 =	vadd.f32 v4, v12  }
0xca: {  	v7 =	vmul.f32 v7, v0;
	v3 =	vmul.f32 v3, v0;
	v62, _, _ =	vpop (xrf2)  }
0xcb: {  	v5 =	vmul.f32 v13, v1;
	v63, _, _ =	vpop (xrf2);
	(xrf2) =	vadd.scan.msk.f32 $0xffff, v4  }
0xcc: {  	v9 =	vmul.f32 v61, v0;
	v2 =	vmul.f32 v2, v1;
	v10 =	vadd.f32 v10, v3  }
0xcd: {  	v8 =	vmul.f32 v60, v0;
	v6 =	vmul.f32 v6, v1;
	[tilespmem:s21+$0x0] =	vst.msk vm0, v62  }
0xce: {  	v3 =	vadd.f32 v2, v7;
	[tilespmem:s21+$0xFFFFFFF8] =	vst.msk vm0, v63;
	v7, _, _ =	vpop (xrf2);
	(xrf2) =	vadd.scan.msk.f32 $0xffff, v10  }
0xcf: {  	s26 =	simm.s32 $0x0;
	s28 =	simm.s32 $0xB6F0;
	s0 =	smov.u32 s21;
	v2 =	vadd.f32 v5, v9;
	v4 =	vadd.f32 v6, v8;
	[tilespmem:s21+$0xFFFFFFF9] =	vst.msk vm0, v7;
	v5, _, _ =	vpop (xrf2)  }
.LBB2_7:
0xd0: {  	v6 =	vld [tilespmem:s28+$0xFFFFFFF0];
	[tilespmem:s0+$0xFFFFFFFA] =	vst.msk vm0, v5  }
0xd1: {  	s26 =	sadd.s32 $0xA, s26;
	v5 =	vld [tilespmem:s28+$0x0];
	(xrf2) =	vadd.scan.msk.f32 $0xffff, v3  }
0xd2: {  	p1 =	slt.u32 s26, $0x28;
	v3 =	vld [tilespmem:s28+$0xFFFFFEE0];
	v7, _, _ =	vpop (xrf2)  }
0xd3: {  	v8 =	vld [tilespmem:s28+$0xFFFFFEF0];
	[tilespmem:s0+$0xFFFFFFFB] =	vst.msk vm0, v7  }
0xd4: {  	v7 =	vld [tilespmem:s28+$0xFFFFFF00];
	(xrf2) =	vadd.scan.msk.f32 $0xffff, v4  }
0xd5: {  	v4 =	vld [tilespmem:s28+$0xFFFFFF10];
	v9, _, _ =	vpop (xrf2)  }
0xd6: {  	v11 =	vmul.f32 v6, v0;
	v10 =	vld [tilespmem:s28+$0xFFFFFF20];
	v5 =	vmul.f32 v5, v1;
	[tilespmem:s0+$0xFFFFFFFC] =	vst.msk vm0, v9  }
0xd7: {  	v9 =	vmul.f32 v3, v1;
	v3 =	vld [tilespmem:s28+$0xFFFFFF30];
	(xrf2) =	vadd.scan.msk.f32 $0xffff, v2  }
0xd8: {  	v2 =	vmul.f32 v8, v0;
	v8 =	vld [tilespmem:s28+$0xFFFFFF40];
	v5 =	vadd.f32 v5, v11;
	v6, _, _ =	vpop (xrf2)  }
0xd9: {  	v7 =	vmul.f32 v7, v1;
	v11 =	vld [tilespmem:s28+$0xFFFFFF50];
	[tilespmem:s0+$0xFFFFFFF7] =	vst.msk vm0, v6  }
0xda: {  	v4 =	vmul.f32 v4, v0;
	v6 =	vld [tilespmem:s28+$0xFFFFFF60];
	(xrf2) =	vadd.scan.msk.f32 $0xffff, v5  }
0xdb: {  	v2 =	vadd.f32 v7, v2;
	v5 =	vmul.f32 v10, v1;
	v7 =	vld [tilespmem:s28+$0xFFFFFF70];
	v10, _, _ =	vpop (xrf2)  }
0xdc: {  	v3 =	vmul.f32 v3, v0;
	v12 =	vld [tilespmem:s28+$0xFFFFFF80];
	[tilespmem:s0+$0xFFFFFFFD] =	vst.msk vm0, v10  }
0xdd: {  	v4 =	vadd.f32 v5, v4;
	v5 =	vmul.f32 v8, v1;
	v8 =	vld [tilespmem:s28+$0xFFFFFF90];
	(xrf2) =	vadd.scan.msk.f32 $0xffff, v2  }
0xde: {  	v2 =	vmul.f32 v11, v0;
	v10 =	vld [tilespmem:s28+$0xFFFFFFA0];
	v11, _, _ =	vpop (xrf2)  }
0xdf: {  	v3 =	vadd.f32 v5, v3;
	v5 =	vmul.f32 v6, v1;
	v6 =	vld [tilespmem:s28+$0xFFFFFFB0];
	[tilespmem:s0+$0xFFFFFFFE] =	vst.msk vm0, v11  }
0xe0: {  	v7 =	vmul.f32 v7, v0;
	v11 =	vld [tilespmem:s28+$0xFFFFFFC0];
	(xrf2) =	vadd.scan.msk.f32 $0xffff, v4  }
0xe1: {  	v2 =	vadd.f32 v5, v2;
	v4 =	vmul.f32 v12, v1;
	v5 =	vld [tilespmem:s28+$0xFFFFFFD0];
	v12, _, _ =	vpop (xrf2)  }
0xe2: {  	v8 =	vmul.f32 v8, v0;
	v13 =	vld [tilespmem:s28+$0xFFFFFFE0];
	[tilespmem:s0+$0xFFFFFFFF] =	vst.msk vm0, v12  }
0xe3: {  	v12 =	vld [tilespmem:s28+$0xFFFFFED0];
	v7 =	vadd.f32 v4, v7;
	v4 =	vmul.f32 v10, v1;
	(xrf2) =	vadd.scan.msk.f32 $0xffff, v3  }
0xe4: {  	s0 =	sadd.s32 $0xA, s0;
	v14 =	vmul.f32 v6, v0;
	v10, _, _ =	vpop (xrf2)  }
0xe5: {  	v3 =	vadd.f32 v4, v8;
	v4 =	vmul.f32 v11, v1;
	[tilespmem:s0+$0x0] =	vst.msk vm0, v10  }
0xe6: {  	v5 =	vmul.f32 v5, v0;
	(xrf2) =	vadd.scan.msk.f32 $0xffff, v2  }
0xe7: {  	v4 =	vadd.f32 v4, v14;
	v2 =	vmul.f32 v13, v1;
	v6, _, _ =	vpop (xrf2)  }
0xe8: {  	v8 =	vmul.f32 v12, v0;
	[tilespmem:s0+$0xFFFFFFF8] =	vst.msk vm0, v6  }
.Ltmp4:
0xe9: {  	v2 =	vadd.f32 v2, v5;
	(xrf2) =	vadd.scan.msk.f32 $0xffff, v7;
	(pc) =	sbr.rel @p1 .LBB2_7-.Ltmp4, $4  }
0xea: {  	v7 =	vadd.f32 v9, v8;
	v6, _, _ =	vpop (xrf2)  }
0xeb: {  	[tilespmem:s0+$0xFFFFFFF9] =	vst.msk vm0, v6  }
0xec: {  	(xrf2) =	vadd.scan.msk.f32 $0xffff, v7  }
0xed: {  	s28 =	sadd.s32 $0x140, s28;
	v5, _, _ =	vpop (xrf2)  }
0xee: {  	(xrf2) =	vadd.scan.msk.f32 $0xffff, v3  }
0xef: {  	(xrf2) =	vadd.scan.msk.f32 $0xffff, v4  }
0xf0: {  	(xrf2) =	vadd.scan.msk.f32 $0xffff, v2;
	_ =	sdelay $0x4  }
0xf1: {  	[tilespmem:s0+$0xFFFFFFFA] =	vst.msk vm0, v5;
	v0, _, _ =	vpop (xrf2)  }
0xf2: {  	[tilespmem:s0+$0xFFFFFFFB] =	vst.msk vm0, v0;
	v1, _, _ =	vpop (xrf2)  }
0xf3: {  	[tilespmem:s0+$0xFFFFFFFC] =	vst.msk vm0, v1;
	v0, _, _ =	vpop (xrf2)  }
0xf4: {  	[tilespmem:s0+$0xFFFFFFF7] =	vst.msk vm0, v0;
	v0, _, _ =	vpop (xrf2)  }
0xf5: {  	[tilespmem:s0+$0xFFFFFFFD] =	vst.msk vm0, v0;
	v0, _, _ =	vpop (xrf2)  }
0xf6: {  	[tilespmem:s0+$0xFFFFFFFE] =	vst.msk vm0, v0;
	v0, _, _ =	vpop (xrf2)  }
0xf7: {  	[tilespmem:s0+$0xFFFFFFFF] =	vst.msk vm0, v0  }
0xf8: {  	v0 =	vld [tilespmem:s25+$0x6820]  }
0xf9: {  	s31 =	simm.s32 $0xBBF0;
	v1 =	vld [tilespmem:s25+$0x6830]  }
0xfa: {  	v2 =	vld [tilespmem:s31+$0xFFFFFFF0]  }
0xfb: {  	v3 =	vld [tilespmem:s31+$0x0]  }
0xfc: {  	v4 =	vld [tilespmem:s31+$0xFFFFFEF0]  }
0xfd: {  	v5 =	vld [tilespmem:s31+$0xFFFFFF00]  }
0xfe: {  	v6 =	vld [tilespmem:s31+$0xFFFFFF10]  }
0xff: {  	v7 =	vld [tilespmem:s31+$0xFFFFFF20]  }
0x100: {  	v8 =	vld [tilespmem:s31+$0xFFFFFF30];
	v2 =	vmul.f32 v2, v0;
	v3 =	vmul.f32 v3, v1  }
0x101: {  	v9 =	vld [tilespmem:s31+$0xFFFFFF40]  }
0x102: {  	v10 =	vld [tilespmem:s31+$0xFFFFFEE0];
	v4 =	vmul.f32 v4, v0;
	v2 =	vadd.f32 v3, v2;
	v3 =	vmul.f32 v5, v1  }
0x103: {  	v11 =	vld [tilespmem:s31+$0xFFFFFF50]  }
0x104: {  	v5 =	vld [tilespmem:s31+$0xFFFFFF60];
	(xrf2) =	vadd.scan.msk.f32 $0xffff, v2;
	v2 =	vadd.f32 v3, v4  }
0x105: {  	v12 =	vld [tilespmem:s31+$0xFFFFFF70];
	v6 =	vmul.f32 v6, v0;
	v7 =	vmul.f32 v7, v1  }
0x106: {  	v60 =	vld [tilespmem:s31+$0xFFFFFFB0];
	v59 =	vmul.f32 v9, v1;
	v3 =	vmul.f32 v8, v0;
	(xrf2) =	vadd.scan.msk.f32 $0xffff, v2  }
0x107: {  	v6 =	vadd.f32 v7, v6;
	v4 =	vld [tilespmem:s31+$0xFFFFFF80]  }
0x108: {  	v61 =	vld [tilespmem:s31+$0xFFFFFFD0];
	v3 =	vadd.f32 v59, v3  }
0x109: {  	v11 =	vmul.f32 v11, v0;
	v7 =	vld [tilespmem:s31+$0xFFFFFF90];
	(xrf2) =	vadd.scan.msk.f32 $0xffff, v6;
	v5 =	vmul.f32 v5, v1  }
0x10a: {  	(xrf2) =	vadd.scan.msk.f32 $0xffff, v3;
	v3 =	vld [tilespmem:s31+$0xFFFFFED0]  }
0x10b: {  	v13 =	vld [tilespmem:s31+$0xFFFFFFE0];
	v5 =	vadd.f32 v5, v11  }
0x10c: {  	v12 =	vmul.f32 v12, v0;
	v2 =	vld [tilespmem:s31+$0xFFFFFFA0];
	v4 =	vmul.f32 v4, v1  }
0x10d: {  	v6 =	vld [tilespmem:s31+$0xFFFFFFC0];
	(xrf2) =	vadd.scan.msk.f32 $0xffff, v5  }
0x10e: {  	v10 =	vmul.f32 v10, v1;
	v4 =	vadd.f32 v4, v12  }
0x10f: {  	v7 =	vmul.f32 v7, v0;
	v3 =	vmul.f32 v3, v0;
	v62, _, _ =	vpop (xrf2)  }
0x110: {  	v5 =	vmul.f32 v13, v1;
	v63, _, _ =	vpop (xrf2);
	(xrf2) =	vadd.scan.msk.f32 $0xffff, v4  }
0x111: {  	v9 =	vmul.f32 v61, v0;
	v2 =	vmul.f32 v2, v1;
	v10 =	vadd.f32 v10, v3  }
0x112: {  	v8 =	vmul.f32 v60, v0;
	v6 =	vmul.f32 v6, v1;
	[tilespmem:s22+$0x0] =	vst.msk vm0, v62  }
0x113: {  	v3 =	vadd.f32 v2, v7;
	[tilespmem:s22+$0xFFFFFFF8] =	vst.msk vm0, v63;
	v7, _, _ =	vpop (xrf2);
	(xrf2) =	vadd.scan.msk.f32 $0xffff, v10  }
0x114: {  	s26 =	simm.s32 $0xBD30;
	s0 =	smov.u32 s22;
	s25 =	simm.s32 $0x0;
	v2 =	vadd.f32 v5, v9;
	v4 =	vadd.f32 v6, v8;
	[tilespmem:s22+$0xFFFFFFF9] =	vst.msk vm0, v7;
	v5, _, _ =	vpop (xrf2)  }
.LBB2_9:
0x115: {  	v6 =	vld [tilespmem:s26+$0xFFFFFFF0];
	[tilespmem:s0+$0xFFFFFFFA] =	vst.msk vm0, v5  }
0x116: {  	s25 =	sadd.s32 $0xA, s25;
	v5 =	vld [tilespmem:s26+$0x0];
	(xrf2) =	vadd.scan.msk.f32 $0xffff, v3  }
0x117: {  	p1 =	slt.u32 s25, $0x28;
	v3 =	vld [tilespmem:s26+$0xFFFFFEE0];
	v7, _, _ =	vpop (xrf2)  }
0x118: {  	v8 =	vld [tilespmem:s26+$0xFFFFFEF0];
	[tilespmem:s0+$0xFFFFFFFB] =	vst.msk vm0, v7  }
0x119: {  	v7 =	vld [tilespmem:s26+$0xFFFFFF00];
	(xrf2) =	vadd.scan.msk.f32 $0xffff, v4  }
0x11a: {  	v4 =	vld [tilespmem:s26+$0xFFFFFF10];
	v9, _, _ =	vpop (xrf2)  }
0x11b: {  	v11 =	vmul.f32 v6, v0;
	v10 =	vld [tilespmem:s26+$0xFFFFFF20];
	v5 =	vmul.f32 v5, v1;
	[tilespmem:s0+$0xFFFFFFFC] =	vst.msk vm0, v9  }
0x11c: {  	v9 =	vmul.f32 v3, v1;
	v3 =	vld [tilespmem:s26+$0xFFFFFF30];
	(xrf2) =	vadd.scan.msk.f32 $0xffff, v2  }
0x11d: {  	v2 =	vmul.f32 v8, v0;
	v8 =	vld [tilespmem:s26+$0xFFFFFF40];
	v5 =	vadd.f32 v5, v11;
	v6, _, _ =	vpop (xrf2)  }
0x11e: {  	v7 =	vmul.f32 v7, v1;
	v11 =	vld [tilespmem:s26+$0xFFFFFF50];
	[tilespmem:s0+$0xFFFFFFF7] =	vst.msk vm0, v6  }
0x11f: {  	v4 =	vmul.f32 v4, v0;
	v6 =	vld [tilespmem:s26+$0xFFFFFF60];
	(xrf2) =	vadd.scan.msk.f32 $0xffff, v5  }
0x120: {  	v2 =	vadd.f32 v7, v2;
	v5 =	vmul.f32 v10, v1;
	v7 =	vld [tilespmem:s26+$0xFFFFFF70];
	v10, _, _ =	vpop (xrf2)  }
0x121: {  	v3 =	vmul.f32 v3, v0;
	v12 =	vld [tilespmem:s26+$0xFFFFFF80];
	[tilespmem:s0+$0xFFFFFFFD] =	vst.msk vm0, v10  }
0x122: {  	v4 =	vadd.f32 v5, v4;
	v5 =	vmul.f32 v8, v1;
	v8 =	vld [tilespmem:s26+$0xFFFFFF90];
	(xrf2) =	vadd.scan.msk.f32 $0xffff, v2  }
0x123: {  	v2 =	vmul.f32 v11, v0;
	v10 =	vld [tilespmem:s26+$0xFFFFFFA0];
	v11, _, _ =	vpop (xrf2)  }
0x124: {  	v3 =	vadd.f32 v5, v3;
	v5 =	vmul.f32 v6, v1;
	v6 =	vld [tilespmem:s26+$0xFFFFFFB0];
	[tilespmem:s0+$0xFFFFFFFE] =	vst.msk vm0, v11  }
0x125: {  	v7 =	vmul.f32 v7, v0;
	v11 =	vld [tilespmem:s26+$0xFFFFFFC0];
	(xrf2) =	vadd.scan.msk.f32 $0xffff, v4  }
0x126: {  	v2 =	vadd.f32 v5, v2;
	v4 =	vmul.f32 v12, v1;
	v5 =	vld [tilespmem:s26+$0xFFFFFFD0];
	v12, _, _ =	vpop (xrf2)  }
0x127: {  	v8 =	vmul.f32 v8, v0;
	v13 =	vld [tilespmem:s26+$0xFFFFFFE0];
	[tilespmem:s0+$0xFFFFFFFF] =	vst.msk vm0, v12  }
0x128: {  	v12 =	vld [tilespmem:s26+$0xFFFFFED0];
	v7 =	vadd.f32 v4, v7;
	v4 =	vmul.f32 v10, v1;
	(xrf2) =	vadd.scan.msk.f32 $0xffff, v3  }
0x129: {  	s0 =	sadd.s32 $0xA, s0;
	v14 =	vmul.f32 v6, v0;
	v10, _, _ =	vpop (xrf2)  }
0x12a: {  	v3 =	vadd.f32 v4, v8;
	v4 =	vmul.f32 v11, v1;
	[tilespmem:s0+$0x0] =	vst.msk vm0, v10  }
0x12b: {  	v5 =	vmul.f32 v5, v0;
	(xrf2) =	vadd.scan.msk.f32 $0xffff, v2  }
0x12c: {  	v4 =	vadd.f32 v4, v14;
	v2 =	vmul.f32 v13, v1;
	v6, _, _ =	vpop (xrf2)  }
0x12d: {  	v8 =	vmul.f32 v12, v0;
	[tilespmem:s0+$0xFFFFFFF8] =	vst.msk vm0, v6  }
.Ltmp5:
0x12e: {  	v2 =	vadd.f32 v2, v5;
	(xrf2) =	vadd.scan.msk.f32 $0xffff, v7;
	(pc) =	sbr.rel @p1 .LBB2_9-.Ltmp5, $4  }
0x12f: {  	v7 =	vadd.f32 v9, v8;
	v6, _, _ =	vpop (xrf2)  }
0x130: {  	[tilespmem:s0+$0xFFFFFFF9] =	vst.msk vm0, v6  }
0x131: {  	(xrf2) =	vadd.scan.msk.f32 $0xffff, v7  }
0x132: {  	s26 =	sadd.s32 $0x140, s26;
	v5, _, _ =	vpop (xrf2)  }
0x133: {  	(xrf2) =	vadd.scan.msk.f32 $0xffff, v3  }
0x134: {  	(xrf2) =	vadd.scan.msk.f32 $0xffff, v4  }
0x135: {  	(xrf2) =	vadd.scan.msk.f32 $0xffff, v2;
	_ =	sdelay $0x4  }
0x136: {  	[tilespmem:s0+$0xFFFFFFFA] =	vst.msk vm0, v5;
	v0, _, _ =	vpop (xrf2)  }
0x137: {  	[tilespmem:s0+$0xFFFFFFFB] =	vst.msk vm0, v0;
	v1, _, _ =	vpop (xrf2)  }
.Ltmp6:
0x138: {  	[tilespmem:s0+$0xFFFFFFFC] =	vst.msk vm0, v1;
	v60, _, _ =	vpop (xrf2);
	(pc) =	sbr.rel @p0 .LBB2_12-.Ltmp6, $4  }
0x139: {  	[tilespmem:s0+$0xFFFFFFF7] =	vst.msk vm0, v60;
	v61, _, _ =	vpop (xrf2)  }
0x13a: {  	[tilespmem:s0+$0xFFFFFFFD] =	vst.msk vm0, v61;
	v62, _, _ =	vpop (xrf2)  }
0x13b: {  	[tilespmem:s0+$0xFFFFFFFE] =	vst.msk vm0, v62;
	v63, _, _ =	vpop (xrf2)  }
0x13c: {  	[tilespmem:s0+$0xFFFFFFFF] =	vst.msk vm0, v63  }
0x13d: {  	s0 =	smul.u32 $0x340, s24  }
.Ltmp7:
0x13e: {  	_ = 	snop;
	(pc) =	sbr.rel .LBB2_2-.Ltmp7, $4  }
0x13f: {  	s24 =	sadd.s32 $0x1, s24;
	s19 =	sadd.s32 $0xC8, s19  }
0x140: {  	s23 =	sadd.s32 $0xC8, s23;
	s20 =	sadd.s32 $0xC8, s20;
	s0 =	sshra.s32 s0, $0x2  }
0x141: {  	s21 =	sadd.s32 $0xC8, s21;
	s22 =	sadd.s32 $0xC8, s22;
	s0 =	sadd.s32 $0x138, s0  }
0x142: {  	[tilespmem:s14], [sflag:$0x3] =	stream.indirect.gather [hbm4b:s3+s11], $0x20, s0, s11, $0xb8;
	[tilespmem:$0x12510] =	vst v63  }
.LBB2_13:
0x143: {  	_ =	sfence.sel $0x180000  }
0x144: {  	[bflag:$0x0] =	sbarrier.arrive $0xFFFF  }
0x145: {  	_ =	strace $0x9000004A  }
0x146: {  	s0 =	stileid.u32;
	[bflag:$0x2] =	sbarrier.arrive $0xFFFF  }
0x147: {  	p0 =	sne.s32 s0, $0x0;
	s0 =	rddreg [dreg:$0x2]  }
0x148: {  	s0 =	sadd.s32 @!p0 $0x100000, s0  }
0x149: {  	[sflag:s0] =	ssyncadd.tile.s32 @!p0 $0x1;
	_ =	shalt  }
.Lfunc_end2:
_tile_overlayer_lowered:
.L_overlay_start_2:
0x14a: {  	(tag) =	ssettag $0x2  }
0x14b: {  	s0 =	rddreg [dreg:$0x0];
	s2 =	stileid.u32  }
0x14c: {  	s1 =	rddreg [dreg:$0x1];
	p0 =	sne.s32 s2, $0x0  }
0x14d: {  	s3 =	rddreg [dreg:$0x2];
	[bflag:$0x3] =	sbarrier.arrive $0xFFFF;
	s2 =	simm.s32 @!p0 $0x1C04  }
0x14e: {  	[timem:s3], [sflag:s2] =	dma.local @!p0 [hbm:s0], s1  }
0x14f: {  	s0 =	simm.s32 @!p0 $0x4  }
0x150: {  	_ =	swait.ge @!p0 [sflag:s0], s1  }
0x151: {  	s1 =	ssub.s32 @!p0 $0x0, s1;
	[sflag:s0] =	ssyncset.done @!p0 $0x0  }
0x152: {  	[sflag:s0] =	ssyncadd.s32 @!p0 s1  }
0x153: {  	[bflag:$0x3] =	sbarrier.arrive $0xFFFF  }
0x154: {  	_ =	shalt  }

</sc_bundles>
